<compile_context>
chip_gen: v7x
topology: tpu7x:2x2x1
jax: 0.10.2.dev20260603
libtpu: 0.0.44.dev20260713+nightly
codegen_flags: <defaults>
</compile_context>

<pallas_src>
import functools

import jax
import jax.numpy as jnp
from jax import lax
from jax.experimental import pallas as pl
from jax.experimental.pallas import tpu as pltpu
from jax.experimental.pallas import tpu_sc as plsc

N = 50000
E = 1600000
D = 1433
H = 16
C = 5

NC = 2
NS = 16
NW = NC * NS
EW = E // NW
CH = 2000
NCHUNK = EW // CH
RW = N // NS


@functools.lru_cache(maxsize=None)
def _sc_kernels():
    mesh = plsc.VectorSubcoreMesh(
        core_axis_name="c", subcore_axis_name="s", num_cores=NC, num_subcores=NS
    )

    common = dict(
        out_type=jax.ShapeDtypeStruct((NC, N, H), jnp.float32),
        mesh=mesh,
        compiler_params=pltpu.CompilerParams(use_tc_tiling_on_sc=False),
    )

    @functools.partial(
        pl.kernel,
        scratch_types=[
            pltpu.VMEM((CH,), jnp.int32),
            pltpu.VMEM((CH,), jnp.int32),
            pltpu.VMEM((CH, H), jnp.float32),
            pltpu.VMEM_SHARED((N, H), jnp.float32),
            pltpu.SemaphoreType.DMA,
            pltpu.SemaphoreType.DMA,
        ],
        **common,
    )
    def deg_kernel(dst_hbm, zero_hbm, out_hbm, idx_a, idx_b, ones_v, acc_sh,
                   sem_a, sem_b):
        c = lax.axis_index("c")
        s = lax.axis_index("s")
        wid = s * NC + c
        ebase = wid * EW

        pltpu.sync_copy(zero_hbm.at[pl.ds(s * RW, RW)], acc_sh.at[pl.ds(s * RW, RW)])

        def obody(i, carry):
            ones_v[i, :] = jnp.ones((H,), jnp.float32)
            return carry

        lax.fori_loop(0, CH, obody, 0)
        plsc.subcore_barrier()

        pltpu.async_copy(dst_hbm.at[pl.ds(ebase, CH)], idx_a, sem_a)

        def body(k, carry):
            j1 = 2 * k + 1
            pltpu.async_copy(dst_hbm.at[pl.ds(ebase + j1 * CH, CH)], idx_b, sem_b)
            pltpu.make_async_copy(
                dst_hbm.at[pl.ds(ebase, CH)], idx_a, sem_a).wait()
            pltpu.sync_copy(ones_v, acc_sh.at[idx_a], add=True)
            j2 = 2 * k + 2
            pltpu.async_copy(dst_hbm.at[pl.ds(ebase + j2 * CH, CH)], idx_a, sem_a)
            pltpu.make_async_copy(
                dst_hbm.at[pl.ds(ebase, CH)], idx_b, sem_b).wait()
            pltpu.sync_copy(ones_v, acc_sh.at[idx_b], add=True)
            return carry

        lax.fori_loop(0, NCHUNK // 2, body, 0)
        pltpu.make_async_copy(dst_hbm.at[pl.ds(ebase, CH)], idx_a, sem_a).wait()
        pltpu.sync_copy(ones_v, acc_sh.at[idx_a], add=True)
        plsc.subcore_barrier()

        pltpu.sync_copy(acc_sh.at[pl.ds(s * RW, RW)], out_hbm.at[c, pl.ds(s * RW, RW)])

    @functools.partial(
        pl.kernel,
        scratch_types=[
            pltpu.VMEM((CH,), jnp.int32),
            pltpu.VMEM((CH,), jnp.int32),
            pltpu.VMEM((CH,), jnp.int32),
            pltpu.VMEM((CH,), jnp.int32),
            pltpu.VMEM((CH, H), jnp.float32),
            pltpu.VMEM((CH, H), jnp.float32),
            pltpu.VMEM_SHARED((N, H), jnp.float32),
            pltpu.SemaphoreType.DMA,
            pltpu.SemaphoreType.DMA,
        ],
        **common,
    )
    def msg_kernel(g_hbm, src_hbm, dst_hbm, zero_hbm, out_hbm,
                   sidx_a, didx_a, sidx_b, didx_b, msg_a, msg_b, acc_sh,
                   sem_a, sem_b):
        c = lax.axis_index("c")
        s = lax.axis_index("s")
        wid = s * NC + c
        ebase = wid * EW

        pltpu.sync_copy(zero_hbm.at[pl.ds(s * RW, RW)], acc_sh.at[pl.ds(s * RW, RW)])
        plsc.subcore_barrier()

        def idx_load(j, sref, dref, sem):
            pltpu.async_copy(src_hbm.at[pl.ds(ebase + j * CH, CH)], sref, sem)
            pltpu.async_copy(dst_hbm.at[pl.ds(ebase + j * CH, CH)], dref, sem)

        def idx_wait(sref, dref, sem):
            pltpu.make_async_copy(src_hbm.at[pl.ds(ebase, CH)], sref, sem).wait()
            pltpu.make_async_copy(dst_hbm.at[pl.ds(ebase, CH)], dref, sem).wait()

        idx_load(0, sidx_a, didx_a, sem_a)
        idx_load(1, sidx_b, didx_b, sem_b)
        idx_wait(sidx_a, didx_a, sem_a)
        pltpu.async_copy(g_hbm.at[sidx_a], msg_a, sem_a)

        def body(k, carry):
            idx_wait(sidx_b, didx_b, sem_b)
            pltpu.async_copy(g_hbm.at[sidx_b], msg_b, sem_b)
            pltpu.make_async_copy(g_hbm.at[sidx_a], msg_a, sem_a).wait()
            pltpu.sync_copy(msg_a, acc_sh.at[didx_a], add=True)
            j2 = 2 * k + 2
            idx_load(j2, sidx_a, didx_a, sem_a)
            idx_wait(sidx_a, didx_a, sem_a)
            pltpu.async_copy(g_hbm.at[sidx_a], msg_a, sem_a)
            pltpu.make_async_copy(g_hbm.at[sidx_b], msg_b, sem_b).wait()
            pltpu.sync_copy(msg_b, acc_sh.at[didx_b], add=True)
            j3 = lax.min(2 * k + 3, NCHUNK - 1)
            idx_load(j3, sidx_b, didx_b, sem_b)
            return carry

        lax.fori_loop(0, NCHUNK // 2, body, 0)
        idx_wait(sidx_b, didx_b, sem_b)
        pltpu.make_async_copy(g_hbm.at[sidx_a], msg_a, sem_a).wait()
        pltpu.sync_copy(msg_a, acc_sh.at[didx_a], add=True)
        plsc.subcore_barrier()

        pltpu.sync_copy(acc_sh.at[pl.ds(s * RW, RW)], out_hbm.at[c, pl.ds(s * RW, RW)])

    return deg_kernel, msg_kernel


BMX = 2048
BE = 2000


def _mm_body(xt_ref, w_ref, h_ref):
    h_ref[...] = lax.dot_general(
        xt_ref[...], w_ref[...], (((0,), (0,)), ((), ())),
        preferred_element_type=jnp.float32)


def _scale_body(h_ref, d0_ref, d1_ref, g_ref, dinv_ref):
    dinv = lax.rsqrt(d0_ref[0] + d1_ref[0] + 1.0)
    g_ref[...] = h_ref[...] * dinv
    dinv_ref[...] = dinv


def _mid_body(a0_ref, a1_ref, g1_ref, dinv_ref, b1_ref, g2_ref):
    dinv = dinv_ref[...]
    out1 = (a0_ref[0] + a1_ref[0] + g1_ref[...]) * dinv + b1_ref[...]
    g2_ref[...] = jnp.maximum(out1, 0.0) * dinv


def _fin_body(a0_ref, a1_ref, g2_ref, dinv_ref, w2_ref, b2_ref, out_ref):
    agg = (a0_ref[0] + a1_ref[0] + g2_ref[...]) * dinv_ref[...]
    ot = lax.dot_general(
        w2_ref[...], agg, (((0,), (1,)), ((), ())),
        preferred_element_type=jnp.float32) + b2_ref[...]
    row = lax.broadcasted_iota(jnp.int32, ot.shape, 0)
    valid = row < C
    ot = jnp.where(valid, ot, -1e30)
    m = jnp.max(ot, axis=0, keepdims=True)
    e = jnp.where(valid, jnp.exp(ot - m), 0.0)
    lse = jnp.log(jnp.sum(e, axis=0, keepdims=True))
    out_ref[...] = (ot - m - lse)[:C, :]


def _h16(bm):
    return pl.BlockSpec((bm, H), lambda i: (i, 0))


def _p16(bm, c):
    return pl.BlockSpec((1, bm, H), lambda i, c=c: (c, i, 0))


def kernel(x, edge_index, W1, b1, W2, b2):
    edge_index = edge_index.astype(jnp.int32)
    src = edge_index[0]
    dst = edge_index[1]

    zeros_2d = jnp.zeros((N, H), jnp.float32)

    deg_k, msg_k = _sc_kernels()
    degp = deg_k(dst, zeros_2d)

    h1 = pl.pallas_call(
        _mm_body,
        grid=(-(-N // BMX),),
        in_specs=[
            pl.BlockSpec((D, BMX), lambda i: (0, i)),
            pl.BlockSpec((D, H), lambda i: (0, 0)),
        ],
        out_specs=_h16(BMX),
        out_shape=jax.ShapeDtypeStruct((N, H), jnp.float32),
    )(x.T, W1)

    g1, dinv = pl.pallas_call(
        _scale_body,
        grid=(N // BE,),
        in_specs=[_h16(BE), _p16(BE, 0), _p16(BE, 1)],
        out_specs=[_h16(BE), _h16(BE)],
        out_shape=[
            jax.ShapeDtypeStruct((N, H), jnp.float32),
            jax.ShapeDtypeStruct((N, H), jnp.float32),
        ],
    )(h1, degp, degp)

    acc1 = msg_k(g1, src, dst, zeros_2d)

    g2 = pl.pallas_call(
        _mid_body,
        grid=(N // BE,),
        in_specs=[_p16(BE, 0), _p16(BE, 1), _h16(BE), _h16(BE),
                  pl.BlockSpec((1, H), lambda i: (0, 0))],
        out_specs=_h16(BE),
        out_shape=jax.ShapeDtypeStruct((N, H), jnp.float32),
    )(acc1, acc1, g1, dinv, b1[None, :])

    acc2 = msg_k(g2, src, dst, zeros_2d)

    W2p = jnp.zeros((H, 128), jnp.float32).at[:, :C].set(W2)
    b2p = jnp.zeros((128, 1), jnp.float32).at[:C, 0].set(b2)
    BE2 = 2048
    outT = pl.pallas_call(
        _fin_body,
        grid=(-(-N // BE2),),
        in_specs=[_p16(BE2, 0), _p16(BE2, 1), _h16(BE2), _h16(BE2),
                  pl.BlockSpec((H, 128), lambda i: (0, 0)),
                  pl.BlockSpec((128, 1), lambda i: (0, 0))],
        out_specs=pl.BlockSpec((C, BE2), lambda i: (0, i)),
        out_shape=jax.ShapeDtypeStruct((C, N), jnp.float32),
    )(acc2, acc2, g2, dinv, W2p, b2p)

    return outT.T

# --- scband reference (transcript-rebuilt; emitter-appended) ---
"""Pipeline reference for scband-net-22625887715386 (READ-ONLY COPY).

The authoritative reference and input builder live on the scoring server;
editing this copy changes nothing except your own understanding.
"""

import jax, jax.numpy as jnp
import numpy as np

N = 50000
E = 1600000
D = 1433
H = 16
C = 5


def setup_inputs(seed: int = 0) -> dict:
    key = jax.random.key(seed)
    k1, k2, k3, k4, k5, k6 = jax.random.split(key, 6)
    x = jax.random.normal(k1, (N, D), dtype=jnp.float32)
    edge_index = jax.random.randint(k2, (2, E), 0, N)
    # GCNConv learned params (glorot weight + zero bias)
    W1 = jax.random.normal(k3, (D, H), dtype=jnp.float32) * jnp.sqrt(2.0 / (D + H))
    b1 = jnp.zeros((H,), dtype=jnp.float32)
    W2 = jax.random.normal(k4, (H, C), dtype=jnp.float32) * jnp.sqrt(2.0 / (H + C))
    b2 = jnp.zeros((C,), dtype=jnp.float32)
    return {"x": x, "edge_index": edge_index, "W1": W1, "b1": b1, "W2": W2, "b2": b2}


def _gcn_conv(x, W, b, src, dst, n):
    # PyG GCNConv: linear transform, add self-loops, sym-normalize, scatter-add, bias
    h = x @ W
    loop = jnp.arange(n)
    s = jnp.concatenate([src, loop])
    d = jnp.concatenate([dst, loop])
    deg = jax.ops.segment_sum(jnp.ones_like(d, dtype=h.dtype), d, num_segments=n)
    dinv = jnp.where(deg > 0, 1.0 / jnp.sqrt(deg), 0.0)
    coef = dinv[s] * dinv[d]
    msg = h[s] * coef[:, None]
    out = jax.ops.segment_sum(msg, d, num_segments=n)
    return out + b


def reference(x, edge_index, W1, b1, W2, b2):
    src = edge_index[0]
    dst = edge_index[1]
    h = jax.nn.relu(_gcn_conv(x, W1, b1, src, dst, N))
    # F.dropout with training=False (eval mode) is identity
    out = _gcn_conv(h, W2, b2, src, dst, N)
    return jax.nn.log_softmax(out, axis=1)

if __name__ == "__main__":
    import jax
    _d = setup_inputs()
    print(jax.jit(kernel)(*tuple(_d.values())))

</pallas_src>

<mosaic_0001>
#map = affine_map<(d0, d1) -> (0, 0)>
#map1 = affine_map<(d0, d1) -> (0)>
#map2 = affine_map<(d0, d1) -> (0, 0, 0)>
module attributes {stable_mosaic.version = 14 : i64} {
  func.func @msg_kernel(%arg0: i32, %arg1: i32, %arg2: memref<50000x16xf32, #tpu.memory_space<hbm>>, %arg3: memref<1600000xi32, #tpu.memory_space<hbm>>, %arg4: memref<1600000xi32, #tpu.memory_space<hbm>>, %arg5: memref<50000x16xf32, #tpu.memory_space<hbm>>, %arg6: memref<2x50000x16xf32, #tpu.memory_space<hbm>>, %arg7: memref<2000xi32, #tpu.memory_space<vmem>>, %arg8: memref<2000xi32, #tpu.memory_space<vmem>>, %arg9: memref<2000xi32, #tpu.memory_space<vmem>>, %arg10: memref<2000xi32, #tpu.memory_space<vmem>>, %arg11: memref<2000x16xf32, #tpu.memory_space<vmem>>, %arg12: memref<2000x16xf32, #tpu.memory_space<vmem>>, %arg13: memref<50000x16xf32, #tpu.memory_space<vmem_shared>>, %arg14: memref<!tpu.dma_semaphore, #tpu.memory_space<semaphore_mem>>, %arg15: memref<!tpu.dma_semaphore, #tpu.memory_space<semaphore_mem>>) attributes {dimension_semantics = [#tpu.dimension_semantics<core_parallel>, #tpu.dimension_semantics<subcore_parallel>], iteration_bounds = array<i64: 2, 16>, scalar_prefetch = 0 : i64, scratch_operands = 9 : i64, tpu.core_type = #tpu.core_type<sc_vector_subcore>, window_params = [{transform_indices = #map}, {transform_indices = #map1}, {transform_indices = #map1}, {transform_indices = #map}, {transform_indices = #map2}]} {
    %mul3A = arith.constant 2 : i32
    %mul3A_0 = arith.muli %arg1, %mul3A : i32
    %add3A = arith.addi %mul3A_0, %arg0 : i32
    %mul3A_1 = arith.constant 50000 : i32
    %mul3A_2 = arith.muli %add3A, %mul3A_1 : i32
    %mul3A_3 = arith.constant 3125 : i32
    %mul3A_4 = arith.muli %arg1, %mul3A_3 : i32
    %mul3A_5 = arith.constant 3125 : i32
    %mul3A_6 = arith.muli %arg1, %mul3A_5 : i32
    "tpu.region"() ({
      %run_scoped3A = tpu.sem_alloc : memref<!tpu.dma_semaphore, #tpu.memory_space<semaphore_mem>>
      %dma_start3A_45 = arith.constant 0 : i32
      %dma_start3A_46 = tpu.memref_slice %arg13[%mul3A_6, %dma_start3A_45] : memref<50000x16xf32, #tpu.memory_space<vmem_shared>> -> memref<3125x16xf32, #tpu.memory_space<vmem_shared>>
      %dma_start3A_47 = arith.constant 0 : i32
      %dma_start3A_48 = tpu.memref_slice %arg5[%mul3A_4, %dma_start3A_47] : memref<50000x16xf32, #tpu.memory_space<hbm>> -> memref<3125x16xf32, #tpu.memory_space<hbm>>
      tpu.enqueue_dma source(%dma_start3A_48 : memref<3125x16xf32, #tpu.memory_space<hbm>>) target(%dma_start3A_46 : memref<3125x16xf32, #tpu.memory_space<vmem_shared>>) target_semaphore(%run_scoped3A : memref<!tpu.dma_semaphore, #tpu.memory_space<semaphore_mem>>)
      %dma_wait3A_49 = arith.constant 0 : i32
      %dma_wait3A_50 = tpu.memref_slice %arg13[%mul3A_6, %dma_wait3A_49] : memref<50000x16xf32, #tpu.memory_space<vmem_shared>> -> memref<3125x16xf32, #tpu.memory_space<vmem_shared>>
      %dma_wait3A_51 = arith.constant 0 : i32
      %dma_wait3A_52 = tpu.memref_slice %arg5[%mul3A_4, %dma_wait3A_51] : memref<50000x16xf32, #tpu.memory_space<hbm>> -> memref<3125x16xf32, #tpu.memory_space<hbm>>
      tpu.wait_dma2 semaphore(%run_scoped3A : memref<!tpu.dma_semaphore, #tpu.memory_space<semaphore_mem>>) src(%dma_wait3A_52 : memref<3125x16xf32, #tpu.memory_space<hbm>>) dst(%dma_wait3A_50 : memref<3125x16xf32, #tpu.memory_space<vmem_shared>>)
      tpu.yield
    }) : () -> ()
    %barrier3A = arith.constant 0 : index
    tpu.barrier barrier_id(%barrier3A)
    %add3A_7 = arith.constant 0 : i32
    %add3A_8 = arith.addi %mul3A_2, %add3A_7 : i32
    %dma_start3A = tpu.memref_slice %arg3[%add3A_8] : memref<1600000xi32, #tpu.memory_space<hbm>> -> memref<2000xi32, #tpu.memory_space<hbm>>
    %dma_start3A_9 = tpu.memref_slice %arg3[%add3A_8] : memref<1600000xi32, #tpu.memory_space<hbm>> -> memref<2000xi32, #tpu.memory_space<hbm>>
    tpu.enqueue_dma source(%dma_start3A_9 : memref<2000xi32, #tpu.memory_space<hbm>>) target(%arg7 : memref<2000xi32, #tpu.memory_space<vmem>>) target_semaphore(%arg14 : memref<!tpu.dma_semaphore, #tpu.memory_space<semaphore_mem>>)
    %add3A_10 = arith.constant 0 : i32
    %add3A_11 = arith.addi %mul3A_2, %add3A_10 : i32
    %dma_start3A_12 = tpu.memref_slice %arg4[%add3A_11] : memref<1600000xi32, #tpu.memory_space<hbm>> -> memref<2000xi32, #tpu.memory_space<hbm>>
    %dma_start3A_13 = tpu.memref_slice %arg4[%add3A_11] : memref<1600000xi32, #tpu.memory_space<hbm>> -> memref<2000xi32, #tpu.memory_space<hbm>>
    tpu.enqueue_dma source(%dma_start3A_13 : memref<2000xi32, #tpu.memory_space<hbm>>) target(%arg8 : memref<2000xi32, #tpu.memory_space<vmem>>) target_semaphore(%arg14 : memref<!tpu.dma_semaphore, #tpu.memory_space<semaphore_mem>>)
    %add3A_14 = arith.constant 2000 : i32
    %add3A_15 = arith.addi %mul3A_2, %add3A_14 : i32
    %dma_start3A_16 = tpu.memref_slice %arg3[%add3A_15] : memref<1600000xi32, #tpu.memory_space<hbm>> -> memref<2000xi32, #tpu.memory_space<hbm>>
    %dma_start3A_17 = tpu.memref_slice %arg3[%add3A_15] : memref<1600000xi32, #tpu.memory_space<hbm>> -> memref<2000xi32, #tpu.memory_space<hbm>>
    tpu.enqueue_dma source(%dma_start3A_17 : memref<2000xi32, #tpu.memory_space<hbm>>) target(%arg9 : memref<2000xi32, #tpu.memory_space<vmem>>) target_semaphore(%arg15 : memref<!tpu.dma_semaphore, #tpu.memory_space<semaphore_mem>>)
    %add3A_18 = arith.constant 2000 : i32
    %add3A_19 = arith.addi %mul3A_2, %add3A_18 : i32
    %dma_start3A_20 = tpu.memref_slice %arg4[%add3A_19] : memref<1600000xi32, #tpu.memory_space<hbm>> -> memref<2000xi32, #tpu.memory_space<hbm>>
    %dma_start3A_21 = tpu.memref_slice %arg4[%add3A_19] : memref<1600000xi32, #tpu.memory_space<hbm>> -> memref<2000xi32, #tpu.memory_space<hbm>>
    tpu.enqueue_dma source(%dma_start3A_21 : memref<2000xi32, #tpu.memory_space<hbm>>) target(%arg10 : memref<2000xi32, #tpu.memory_space<vmem>>) target_semaphore(%arg15 : memref<!tpu.dma_semaphore, #tpu.memory_space<semaphore_mem>>)
    %dma_wait3A = tpu.memref_slice %arg3[%mul3A_2] : memref<1600000xi32, #tpu.memory_space<hbm>> -> memref<2000xi32, #tpu.memory_space<hbm>>
    %dma_wait3A_22 = tpu.memref_slice %arg3[%mul3A_2] : memref<1600000xi32, #tpu.memory_space<hbm>> -> memref<2000xi32, #tpu.memory_space<hbm>>
    tpu.wait_dma2 semaphore(%arg14 : memref<!tpu.dma_semaphore, #tpu.memory_space<semaphore_mem>>) src(%dma_wait3A_22 : memref<2000xi32, #tpu.memory_space<hbm>>) dst(%arg7 : memref<2000xi32, #tpu.memory_space<vmem>>)
    %dma_wait3A_23 = tpu.memref_slice %arg4[%mul3A_2] : memref<1600000xi32, #tpu.memory_space<hbm>> -> memref<2000xi32, #tpu.memory_space<hbm>>
    %dma_wait3A_24 = tpu.memref_slice %arg4[%mul3A_2] : memref<1600000xi32, #tpu.memory_space<hbm>> -> memref<2000xi32, #tpu.memory_space<hbm>>
    tpu.wait_dma2 semaphore(%arg14 : memref<!tpu.dma_semaphore, #tpu.memory_space<semaphore_mem>>) src(%dma_wait3A_24 : memref<2000xi32, #tpu.memory_space<hbm>>) dst(%arg8 : memref<2000xi32, #tpu.memory_space<vmem>>)
    %dma_start3A_25 = arith.constant 0 : i32
    %dma_start3A_26 = arith.constant 0 : i32
    %dma_start3A_27 = tpu.memref_slice %arg2[%dma_start3A_25, %dma_start3A_26] : memref<50000x16xf32, #tpu.memory_space<hbm>> -> memref<50000x16xf32, #tpu.memory_space<hbm>>
    tpu.enqueue_indirect_dma source(%dma_start3A_27 : memref<50000x16xf32, #tpu.memory_space<hbm>>) target(%arg11 : memref<2000x16xf32, #tpu.memory_space<vmem>>) offsets(%arg7 : memref<2000xi32, #tpu.memory_space<vmem>>) semaphore(%arg14 : memref<!tpu.dma_semaphore, #tpu.memory_space<semaphore_mem>>)
    %scan3A = arith.constant 0 : i32
    %scan3A_28 = arith.constant 0 : i32
    %scan3A_29 = arith.constant 12 : i32
    %scan3A_30 = arith.addi %scan3A_28, %scan3A_29 : i32
    %scan3A_31 = arith.constant 1 : i32
    scf.for %scan3A_45 = %scan3A_28 to %scan3A_30 step %scan3A_31  : i32 {
      %dma_wait3A_46 = tpu.memref_slice %arg3[%mul3A_2] : memref<1600000xi32, #tpu.memory_space<hbm>> -> memref<2000xi32, #tpu.memory_space<hbm>>
      %dma_wait3A_47 = tpu.memref_slice %arg3[%mul3A_2] : memref<1600000xi32, #tpu.memory_space<hbm>> -> memref<2000xi32, #tpu.memory_space<hbm>>
      tpu.wait_dma2 semaphore(%arg15 : memref<!tpu.dma_semaphore, #tpu.memory_space<semaphore_mem>>) src(%dma_wait3A_47 : memref<2000xi32, #tpu.memory_space<hbm>>) dst(%arg9 : memref<2000xi32, #tpu.memory_space<vmem>>)
      %dma_wait3A_48 = tpu.memref_slice %arg4[%mul3A_2] : memref<1600000xi32, #tpu.memory_space<hbm>> -> memref<2000xi32, #tpu.memory_space<hbm>>
      %dma_wait3A_49 = tpu.memref_slice %arg4[%mul3A_2] : memref<1600000xi32, #tpu.memory_space<hbm>> -> memref<2000xi32, #tpu.memory_space<hbm>>
      tpu.wait_dma2 semaphore(%arg15 : memref<!tpu.dma_semaphore, #tpu.memory_space<semaphore_mem>>) src(%dma_wait3A_49 : memref<2000xi32, #tpu.memory_space<hbm>>) dst(%arg10 : memref<2000xi32, #tpu.memory_space<vmem>>)
      %dma_start3A_50 = arith.constant 0 : i32
      %dma_start3A_51 = arith.constant 0 : i32
      %dma_start3A_52 = tpu.memref_slice %arg2[%dma_start3A_50, %dma_start3A_51] : memref<50000x16xf32, #tpu.memory_space<hbm>> -> memref<50000x16xf32, #tpu.memory_space<hbm>>
      tpu.enqueue_indirect_dma source(%dma_start3A_52 : memref<50000x16xf32, #tpu.memory_space<hbm>>) target(%arg12 : memref<2000x16xf32, #tpu.memory_space<vmem>>) offsets(%arg9 : memref<2000xi32, #tpu.memory_space<vmem>>) semaphore(%arg15 : memref<!tpu.dma_semaphore, #tpu.memory_space<semaphore_mem>>)
      %dma_wait3A_53 = arith.constant 0 : i32
      %dma_wait3A_54 = arith.constant 0 : i32
      %dma_wait3A_55 = tpu.memref_slice %arg2[%dma_wait3A_53, %dma_wait3A_54] : memref<50000x16xf32, #tpu.memory_space<hbm>> -> memref<50000x16xf32, #tpu.memory_space<hbm>>
      tpu.wait_indirect_dma semaphore(%arg14 : memref<!tpu.dma_semaphore, #tpu.memory_space<semaphore_mem>>) src(%dma_wait3A_55 : memref<50000x16xf32, #tpu.memory_space<hbm>>) dst(%arg11 : memref<2000x16xf32, #tpu.memory_space<vmem>>)
      "tpu.region"() ({
        %run_scoped3A = tpu.sem_alloc : memref<!tpu.dma_semaphore, #tpu.memory_space<semaphore_mem>>
        %dma_start3A_95 = arith.constant 0 : i32
        %dma_start3A_96 = arith.constant 0 : i32
        %dma_start3A_97 = tpu.memref_slice %arg13[%dma_start3A_95, %dma_start3A_96] : memref<50000x16xf32, #tpu.memory_space<vmem_shared>> -> memref<50000x16xf32, #tpu.memory_space<vmem_shared>>
        tpu.enqueue_indirect_dma source(%arg11 : memref<2000x16xf32, #tpu.memory_space<vmem>>) target(%dma_start3A_97 : memref<50000x16xf32, #tpu.memory_space<vmem_shared>>) offsets(%arg8 : memref<2000xi32, #tpu.memory_space<vmem>>) semaphore(%run_scoped3A : memref<!tpu.dma_semaphore, #tpu.memory_space<semaphore_mem>>) {add = true}
        %dma_wait3A_98 = arith.constant 0 : i32
        %dma_wait3A_99 = arith.constant 0 : i32
        %dma_wait3A_100 = tpu.memref_slice %arg13[%dma_wait3A_98, %dma_wait3A_99] : memref<50000x16xf32, #tpu.memory_space<vmem_shared>> -> memref<50000x16xf32, #tpu.memory_space<vmem_shared>>
        tpu.wait_indirect_dma semaphore(%run_scoped3A : memref<!tpu.dma_semaphore, #tpu.memory_space<semaphore_mem>>) src(%arg11 : memref<2000x16xf32, #tpu.memory_space<vmem>>) dst(%dma_wait3A_100 : memref<50000x16xf32, #tpu.memory_space<vmem_shared>>)
        tpu.yield
      }) : () -> ()
      %mul3A_56 = arith.constant 2 : i32
      %mul3A_57 = arith.muli %mul3A_56, %scan3A_45 : i32
      %add3A_58 = arith.constant 2 : i32
      %add3A_59 = arith.addi %mul3A_57, %add3A_58 : i32
      %mul3A_60 = arith.constant 2000 : i32
      %mul3A_61 = arith.muli %add3A_59, %mul3A_60 : i32
      %add3A_62 = arith.addi %mul3A_2, %mul3A_61 : i32
      %dma_start3A_63 = tpu.memref_slice %arg3[%add3A_62] : memref<1600000xi32, #tpu.memory_space<hbm>> -> memref<2000xi32, #tpu.memory_space<hbm>>
      %dma_start3A_64 = tpu.memref_slice %arg3[%add3A_62] : memref<1600000xi32, #tpu.memory_space<hbm>> -> memref<2000xi32, #tpu.memory_space<hbm>>
      tpu.enqueue_dma source(%dma_start3A_64 : memref<2000xi32, #tpu.memory_space<hbm>>) target(%arg7 : memref<2000xi32, #tpu.memory_space<vmem>>) target_semaphore(%arg14 : memref<!tpu.dma_semaphore, #tpu.memory_space<semaphore_mem>>)
      %mul3A_65 = arith.constant 2000 : i32
      %mul3A_66 = arith.muli %add3A_59, %mul3A_65 : i32
      %add3A_67 = arith.addi %mul3A_2, %mul3A_66 : i32
      %dma_start3A_68 = tpu.memref_slice %arg4[%add3A_67] : memref<1600000xi32, #tpu.memory_space<hbm>> -> memref<2000xi32, #tpu.memory_space<hbm>>
      %dma_start3A_69 = tpu.memref_slice %arg4[%add3A_67] : memref<1600000xi32, #tpu.memory_space<hbm>> -> memref<2000xi32, #tpu.memory_space<hbm>>
      tpu.enqueue_dma source(%dma_start3A_69 : memref<2000xi32, #tpu.memory_space<hbm>>) target(%arg8 : memref<2000xi32, #tpu.memory_space<vmem>>) target_semaphore(%arg14 : memref<!tpu.dma_semaphore, #tpu.memory_space<semaphore_mem>>)
      %dma_wait3A_70 = tpu.memref_slice %arg3[%mul3A_2] : memref<1600000xi32, #tpu.memory_space<hbm>> -> memref<2000xi32, #tpu.memory_space<hbm>>
      %dma_wait3A_71 = tpu.memref_slice %arg3[%mul3A_2] : memref<1600000xi32, #tpu.memory_space<hbm>> -> memref<2000xi32, #tpu.memory_space<hbm>>
      tpu.wait_dma2 semaphore(%arg14 : memref<!tpu.dma_semaphore, #tpu.memory_space<semaphore_mem>>) src(%dma_wait3A_71 : memref<2000xi32, #tpu.memory_space<hbm>>) dst(%arg7 : memref<2000xi32, #tpu.memory_space<vmem>>)
      %dma_wait3A_72 = tpu.memref_slice %arg4[%mul3A_2] : memref<1600000xi32, #tpu.memory_space<hbm>> -> memref<2000xi32, #tpu.memory_space<hbm>>
      %dma_wait3A_73 = tpu.memref_slice %arg4[%mul3A_2] : memref<1600000xi32, #tpu.memory_space<hbm>> -> memref<2000xi32, #tpu.memory_space<hbm>>
      tpu.wait_dma2 semaphore(%arg14 : memref<!tpu.dma_semaphore, #tpu.memory_space<semaphore_mem>>) src(%dma_wait3A_73 : memref<2000xi32, #tpu.memory_space<hbm>>) dst(%arg8 : memref<2000xi32, #tpu.memory_space<vmem>>)
      %dma_start3A_74 = arith.constant 0 : i32
      %dma_start3A_75 = arith.constant 0 : i32
      %dma_start3A_76 = tpu.memref_slice %arg2[%dma_start3A_74, %dma_start3A_75] : memref<50000x16xf32, #tpu.memory_space<hbm>> -> memref<50000x16xf32, #tpu.memory_space<hbm>>
      tpu.enqueue_indirect_dma source(%dma_start3A_76 : memref<50000x16xf32, #tpu.memory_space<hbm>>) target(%arg11 : memref<2000x16xf32, #tpu.memory_space<vmem>>) offsets(%arg7 : memref<2000xi32, #tpu.memory_space<vmem>>) semaphore(%arg14 : memref<!tpu.dma_semaphore, #tpu.memory_space<semaphore_mem>>)
      %dma_wait3A_77 = arith.constant 0 : i32
      %dma_wait3A_78 = arith.constant 0 : i32
      %dma_wait3A_79 = tpu.memref_slice %arg2[%dma_wait3A_77, %dma_wait3A_78] : memref<50000x16xf32, #tpu.memory_space<hbm>> -> memref<50000x16xf32, #tpu.memory_space<hbm>>
      tpu.wait_indirect_dma semaphore(%arg15 : memref<!tpu.dma_semaphore, #tpu.memory_space<semaphore_mem>>) src(%dma_wait3A_79 : memref<50000x16xf32, #tpu.memory_space<hbm>>) dst(%arg12 : memref<2000x16xf32, #tpu.memory_space<vmem>>)
      "tpu.region"() ({
        %run_scoped3A = tpu.sem_alloc : memref<!tpu.dma_semaphore, #tpu.memory_space<semaphore_mem>>
        %dma_start3A_95 = arith.constant 0 : i32
        %dma_start3A_96 = arith.constant 0 : i32
        %dma_start3A_97 = tpu.memref_slice %arg13[%dma_start3A_95, %dma_start3A_96] : memref<50000x16xf32, #tpu.memory_space<vmem_shared>> -> memref<50000x16xf32, #tpu.memory_space<vmem_shared>>
        tpu.enqueue_indirect_dma source(%arg12 : memref<2000x16xf32, #tpu.memory_space<vmem>>) target(%dma_start3A_97 : memref<50000x16xf32, #tpu.memory_space<vmem_shared>>) offsets(%arg10 : memref<2000xi32, #tpu.memory_space<vmem>>) semaphore(%run_scoped3A : memref<!tpu.dma_semaphore, #tpu.memory_space<semaphore_mem>>) {add = true}
        %dma_wait3A_98 = arith.constant 0 : i32
        %dma_wait3A_99 = arith.constant 0 : i32
        %dma_wait3A_100 = tpu.memref_slice %arg13[%dma_wait3A_98, %dma_wait3A_99] : memref<50000x16xf32, #tpu.memory_space<vmem_shared>> -> memref<50000x16xf32, #tpu.memory_space<vmem_shared>>
        tpu.wait_indirect_dma semaphore(%run_scoped3A : memref<!tpu.dma_semaphore, #tpu.memory_space<semaphore_mem>>) src(%arg12 : memref<2000x16xf32, #tpu.memory_space<vmem>>) dst(%dma_wait3A_100 : memref<50000x16xf32, #tpu.memory_space<vmem_shared>>)
        tpu.yield
      }) : () -> ()
      %mul3A_80 = arith.constant 2 : i32
      %mul3A_81 = arith.muli %mul3A_80, %scan3A_45 : i32
      %add3A_82 = arith.constant 3 : i32
      %add3A_83 = arith.addi %mul3A_81, %add3A_82 : i32
      %min3A = arith.constant 24 : i32
      %min3A_84 = arith.minsi %add3A_83, %min3A : i32
      %mul3A_85 = arith.constant 2000 : i32
      %mul3A_86 = arith.muli %min3A_84, %mul3A_85 : i32
      %add3A_87 = arith.addi %mul3A_2, %mul3A_86 : i32
      %dma_start3A_88 = tpu.memref_slice %arg3[%add3A_87] : memref<1600000xi32, #tpu.memory_space<hbm>> -> memref<2000xi32, #tpu.memory_space<hbm>>
      %dma_start3A_89 = tpu.memref_slice %arg3[%add3A_87] : memref<1600000xi32, #tpu.memory_space<hbm>> -> memref<2000xi32, #tpu.memory_space<hbm>>
      tpu.enqueue_dma source(%dma_start3A_89 : memref<2000xi32, #tpu.memory_space<hbm>>) target(%arg9 : memref<2000xi32, #tpu.memory_space<vmem>>) target_semaphore(%arg15 : memref<!tpu.dma_semaphore, #tpu.memory_space<semaphore_mem>>)
      %mul3A_90 = arith.constant 2000 : i32
      %mul3A_91 = arith.muli %min3A_84, %mul3A_90 : i32
      %add3A_92 = arith.addi %mul3A_2, %mul3A_91 : i32
      %dma_start3A_93 = tpu.memref_slice %arg4[%add3A_92] : memref<1600000xi32, #tpu.memory_space<hbm>> -> memref<2000xi32, #tpu.memory_space<hbm>>
      %dma_start3A_94 = tpu.memref_slice %arg4[%add3A_92] : memref<1600000xi32, #tpu.memory_space<hbm>> -> memref<2000xi32, #tpu.memory_space<hbm>>
      tpu.enqueue_dma source(%dma_start3A_94 : memref<2000xi32, #tpu.memory_space<hbm>>) target(%arg10 : memref<2000xi32, #tpu.memory_space<vmem>>) target_semaphore(%arg15 : memref<!tpu.dma_semaphore, #tpu.memory_space<semaphore_mem>>)
    }
    %scan3A_32 = arith.constant 12 : i32
    %dma_wait3A_33 = tpu.memref_slice %arg3[%mul3A_2] : memref<1600000xi32, #tpu.memory_space<hbm>> -> memref<2000xi32, #tpu.memory_space<hbm>>
    %dma_wait3A_34 = tpu.memref_slice %arg3[%mul3A_2] : memref<1600000xi32, #tpu.memory_space<hbm>> -> memref<2000xi32, #tpu.memory_space<hbm>>
    tpu.wait_dma2 semaphore(%arg15 : memref<!tpu.dma_semaphore, #tpu.memory_space<semaphore_mem>>) src(%dma_wait3A_34 : memref<2000xi32, #tpu.memory_space<hbm>>) dst(%arg9 : memref<2000xi32, #tpu.memory_space<vmem>>)
    %dma_wait3A_35 = tpu.memref_slice %arg4[%mul3A_2] : memref<1600000xi32, #tpu.memory_space<hbm>> -> memref<2000xi32, #tpu.memory_space<hbm>>
    %dma_wait3A_36 = tpu.memref_slice %arg4[%mul3A_2] : memref<1600000xi32, #tpu.memory_space<hbm>> -> memref<2000xi32, #tpu.memory_space<hbm>>
    tpu.wait_dma2 semaphore(%arg15 : memref<!tpu.dma_semaphore, #tpu.memory_space<semaphore_mem>>) src(%dma_wait3A_36 : memref<2000xi32, #tpu.memory_space<hbm>>) dst(%arg10 : memref<2000xi32, #tpu.memory_space<vmem>>)
    %dma_wait3A_37 = arith.constant 0 : i32
    %dma_wait3A_38 = arith.constant 0 : i32
    %dma_wait3A_39 = tpu.memref_slice %arg2[%dma_wait3A_37, %dma_wait3A_38] : memref<50000x16xf32, #tpu.memory_space<hbm>> -> memref<50000x16xf32, #tpu.memory_space<hbm>>
    tpu.wait_indirect_dma semaphore(%arg14 : memref<!tpu.dma_semaphore, #tpu.memory_space<semaphore_mem>>) src(%dma_wait3A_39 : memref<50000x16xf32, #tpu.memory_space<hbm>>) dst(%arg11 : memref<2000x16xf32, #tpu.memory_space<vmem>>)
    "tpu.region"() ({
      %run_scoped3A = tpu.sem_alloc : memref<!tpu.dma_semaphore, #tpu.memory_space<semaphore_mem>>
      %dma_start3A_45 = arith.constant 0 : i32
      %dma_start3A_46 = arith.constant 0 : i32
      %dma_start3A_47 = tpu.memref_slice %arg13[%dma_start3A_45, %dma_start3A_46] : memref<50000x16xf32, #tpu.memory_space<vmem_shared>> -> memref<50000x16xf32, #tpu.memory_space<vmem_shared>>
      tpu.enqueue_indirect_dma source(%arg11 : memref<2000x16xf32, #tpu.memory_space<vmem>>) target(%dma_start3A_47 : memref<50000x16xf32, #tpu.memory_space<vmem_shared>>) offsets(%arg8 : memref<2000xi32, #tpu.memory_space<vmem>>) semaphore(%run_scoped3A : memref<!tpu.dma_semaphore, #tpu.memory_space<semaphore_mem>>) {add = true}
      %dma_wait3A_48 = arith.constant 0 : i32
      %dma_wait3A_49 = arith.constant 0 : i32
      %dma_wait3A_50 = tpu.memref_slice %arg13[%dma_wait3A_48, %dma_wait3A_49] : memref<50000x16xf32, #tpu.memory_space<vmem_shared>> -> memref<50000x16xf32, #tpu.memory_space<vmem_shared>>
      tpu.wait_indirect_dma semaphore(%run_scoped3A : memref<!tpu.dma_semaphore, #tpu.memory_space<semaphore_mem>>) src(%arg11 : memref<2000x16xf32, #tpu.memory_space<vmem>>) dst(%dma_wait3A_50 : memref<50000x16xf32, #tpu.memory_space<vmem_shared>>)
      tpu.yield
    }) : () -> ()
    %barrier3A_40 = arith.constant 0 : index
    tpu.barrier barrier_id(%barrier3A_40)
    %mul3A_41 = arith.constant 3125 : i32
    %mul3A_42 = arith.muli %arg1, %mul3A_41 : i32
    %mul3A_43 = arith.constant 3125 : i32
    %mul3A_44 = arith.muli %arg1, %mul3A_43 : i32
    "tpu.region"() ({
      %run_scoped3A = tpu.sem_alloc : memref<!tpu.dma_semaphore, #tpu.memory_space<semaphore_mem>>
      %dma_start3A_45 = arith.constant 0 : i32
      %dma_start3A_46 = tpu.memref_slice %arg6[%arg0, %mul3A_44, %dma_start3A_45] : memref<2x50000x16xf32, #tpu.memory_space<hbm>> -> memref<1x3125x16xf32, #tpu.memory_space<hbm>>
      %dma_start3A_47 = tpu.memref_squeeze %dma_start3A_46 : memref<1x3125x16xf32, #tpu.memory_space<hbm>> -> memref<3125x16xf32, #tpu.memory_space<hbm>>
      %dma_start3A_48 = arith.constant 0 : i32
      %dma_start3A_49 = tpu.memref_slice %arg13[%mul3A_42, %dma_start3A_48] : memref<50000x16xf32, #tpu.memory_space<vmem_shared>> -> memref<3125x16xf32, #tpu.memory_space<vmem_shared>>
      tpu.enqueue_dma source(%dma_start3A_49 : memref<3125x16xf32, #tpu.memory_space<vmem_shared>>) target(%dma_start3A_47 : memref<3125x16xf32, #tpu.memory_space<hbm>>) target_semaphore(%run_scoped3A : memref<!tpu.dma_semaphore, #tpu.memory_space<semaphore_mem>>)
      %dma_wait3A_50 = arith.constant 0 : i32
      %dma_wait3A_51 = tpu.memref_slice %arg6[%arg0, %mul3A_44, %dma_wait3A_50] : memref<2x50000x16xf32, #tpu.memory_space<hbm>> -> memref<1x3125x16xf32, #tpu.memory_space<hbm>>
      %dma_wait3A_52 = tpu.memref_squeeze %dma_wait3A_51 : memref<1x3125x16xf32, #tpu.memory_space<hbm>> -> memref<3125x16xf32, #tpu.memory_space<hbm>>
      %dma_wait3A_53 = arith.constant 0 : i32
      %dma_wait3A_54 = tpu.memref_slice %arg13[%mul3A_42, %dma_wait3A_53] : memref<50000x16xf32, #tpu.memory_space<vmem_shared>> -> memref<3125x16xf32, #tpu.memory_space<vmem_shared>>
      tpu.wait_dma2 semaphore(%run_scoped3A : memref<!tpu.dma_semaphore, #tpu.memory_space<semaphore_mem>>) src(%dma_wait3A_54 : memref<3125x16xf32, #tpu.memory_space<vmem_shared>>) dst(%dma_wait3A_52 : memref<3125x16xf32, #tpu.memory_space<hbm>>)
      tpu.yield
    }) : () -> ()
    return
  }
}

#map = affine_map<(d0, d1) -> (0)>
#map1 = affine_map<(d0, d1) -> (0, 0)>
#map2 = affine_map<(d0, d1) -> (0, 0, 0)>
module attributes {stable_mosaic.version = 14 : i64} {
  func.func @deg_kernel(%arg0: i32, %arg1: i32, %arg2: memref<1600000xi32, #tpu.memory_space<hbm>>, %arg3: memref<50000x16xf32, #tpu.memory_space<hbm>>, %arg4: memref<2x50000x16xf32, #tpu.memory_space<hbm>>, %arg5: memref<2000xi32, #tpu.memory_space<vmem>>, %arg6: memref<2000xi32, #tpu.memory_space<vmem>>, %arg7: memref<2000x16xf32, #tpu.memory_space<vmem>>, %arg8: memref<50000x16xf32, #tpu.memory_space<vmem_shared>>, %arg9: memref<!tpu.dma_semaphore, #tpu.memory_space<semaphore_mem>>, %arg10: memref<!tpu.dma_semaphore, #tpu.memory_space<semaphore_mem>>) attributes {dimension_semantics = [#tpu.dimension_semantics<core_parallel>, #tpu.dimension_semantics<subcore_parallel>], iteration_bounds = array<i64: 2, 16>, scalar_prefetch = 0 : i64, scratch_operands = 6 : i64, tpu.core_type = #tpu.core_type<sc_vector_subcore>, window_params = [{transform_indices = #map}, {transform_indices = #map1}, {transform_indices = #map2}]} {
    %mul3A = arith.constant 2 : i32
    %mul3A_0 = arith.muli %arg1, %mul3A : i32
    %add3A = arith.addi %mul3A_0, %arg0 : i32
    %mul3A_1 = arith.constant 50000 : i32
    %mul3A_2 = arith.muli %add3A, %mul3A_1 : i32
    %mul3A_3 = arith.constant 3125 : i32
    %mul3A_4 = arith.muli %arg1, %mul3A_3 : i32
    %mul3A_5 = arith.constant 3125 : i32
    %mul3A_6 = arith.muli %arg1, %mul3A_5 : i32
    "tpu.region"() ({
      %run_scoped3A = tpu.sem_alloc : memref<!tpu.dma_semaphore, #tpu.memory_space<semaphore_mem>>
      %dma_start3A_25 = arith.constant 0 : i32
      %dma_start3A_26 = tpu.memref_slice %arg8[%mul3A_6, %dma_start3A_25] : memref<50000x16xf32, #tpu.memory_space<vmem_shared>> -> memref<3125x16xf32, #tpu.memory_space<vmem_shared>>
      %dma_start3A_27 = arith.constant 0 : i32
      %dma_start3A_28 = tpu.memref_slice %arg3[%mul3A_4, %dma_start3A_27] : memref<50000x16xf32, #tpu.memory_space<hbm>> -> memref<3125x16xf32, #tpu.memory_space<hbm>>
      tpu.enqueue_dma source(%dma_start3A_28 : memref<3125x16xf32, #tpu.memory_space<hbm>>) target(%dma_start3A_26 : memref<3125x16xf32, #tpu.memory_space<vmem_shared>>) target_semaphore(%run_scoped3A : memref<!tpu.dma_semaphore, #tpu.memory_space<semaphore_mem>>)
      %dma_wait3A_29 = arith.constant 0 : i32
      %dma_wait3A_30 = tpu.memref_slice %arg8[%mul3A_6, %dma_wait3A_29] : memref<50000x16xf32, #tpu.memory_space<vmem_shared>> -> memref<3125x16xf32, #tpu.memory_space<vmem_shared>>
      %dma_wait3A_31 = arith.constant 0 : i32
      %dma_wait3A_32 = tpu.memref_slice %arg3[%mul3A_4, %dma_wait3A_31] : memref<50000x16xf32, #tpu.memory_space<hbm>> -> memref<3125x16xf32, #tpu.memory_space<hbm>>
      tpu.wait_dma2 semaphore(%run_scoped3A : memref<!tpu.dma_semaphore, #tpu.memory_space<semaphore_mem>>) src(%dma_wait3A_32 : memref<3125x16xf32, #tpu.memory_space<hbm>>) dst(%dma_wait3A_30 : memref<3125x16xf32, #tpu.memory_space<vmem_shared>>)
      tpu.yield
    }) : () -> ()
    %scan3A = arith.constant 0 : i32
    %scan3A_7 = arith.constant 0 : i32
    %scan3A_8 = arith.constant 2000 : i32
    %scan3A_9 = arith.addi %scan3A_7, %scan3A_8 : i32
    %scan3A_10 = arith.constant 1 : i32
    scf.for %scan3A_25 = %scan3A_7 to %scan3A_9 step %scan3A_10  : i32 {
      %broadcast_in_dim3A = arith.constant 1.000000e+00 : f32
      %broadcast_in_dim3A_26 = vector.broadcast %broadcast_in_dim3A : f32 to vector<16xf32>
      %swap3A = arith.index_cast %scan3A_25 : i32 to index
      %swap3A_27 = arith.constant 0 : index
      %swap3A_28 = tpu.vector_load %arg7[%swap3A, %swap3A_27] {strides = array<i32>} : memref<2000x16xf32, #tpu.memory_space<vmem>>, vector<1x16xf32>,
      %swap3A_29 = vector.shape_cast %swap3A_28 : vector<1x16xf32> to vector<16xf32>
      %swap3A_30 = vector.shape_cast %broadcast_in_dim3A_26 : vector<16xf32> to vector<1x16xf32>
      tpu.vector_store %arg7[%swap3A, %swap3A_27], %swap3A_30 {strides = array<i32>} : memref<2000x16xf32, #tpu.memory_space<vmem>>, vector<1x16xf32>,
    }
    %scan3A_11 = arith.constant 2000 : i32
    %barrier3A = arith.constant 0 : index
    tpu.barrier barrier_id(%barrier3A)
    %dma_start3A = tpu.memref_slice %arg2[%mul3A_2] : memref<1600000xi32, #tpu.memory_space<hbm>> -> memref<2000xi32, #tpu.memory_space<hbm>>
    %dma_start3A_12 = tpu.memref_slice %arg2[%mul3A_2] : memref<1600000xi32, #tpu.memory_space<hbm>> -> memref<2000xi32, #tpu.memory_space<hbm>>
    tpu.enqueue_dma source(%dma_start3A_12 : memref<2000xi32, #tpu.memory_space<hbm>>) target(%arg5 : memref<2000xi32, #tpu.memory_space<vmem>>) target_semaphore(%arg9 : memref<!tpu.dma_semaphore, #tpu.memory_space<semaphore_mem>>)
    %scan3A_13 = arith.constant 0 : i32
    %scan3A_14 = arith.constant 0 : i32
    %scan3A_15 = arith.constant 12 : i32
    %scan3A_16 = arith.addi %scan3A_14, %scan3A_15 : i32
    %scan3A_17 = arith.constant 1 : i32
    scf.for %scan3A_25 = %scan3A_14 to %scan3A_16 step %scan3A_17  : i32 {
      %mul3A_26 = arith.constant 2 : i32
      %mul3A_27 = arith.muli %mul3A_26, %scan3A_25 : i32
      %add3A_28 = arith.constant 1 : i32
      %add3A_29 = arith.addi %mul3A_27, %add3A_28 : i32
      %mul3A_30 = arith.constant 2000 : i32
      %mul3A_31 = arith.muli %add3A_29, %mul3A_30 : i32
      %add3A_32 = arith.addi %mul3A_2, %mul3A_31 : i32
      %dma_start3A_33 = tpu.memref_slice %arg2[%add3A_32] : memref<1600000xi32, #tpu.memory_space<hbm>> -> memref<2000xi32, #tpu.memory_space<hbm>>
      %dma_start3A_34 = tpu.memref_slice %arg2[%add3A_32] : memref<1600000xi32, #tpu.memory_space<hbm>> -> memref<2000xi32, #tpu.memory_space<hbm>>
      tpu.enqueue_dma source(%dma_start3A_34 : memref<2000xi32, #tpu.memory_space<hbm>>) target(%arg6 : memref<2000xi32, #tpu.memory_space<vmem>>) target_semaphore(%arg10 : memref<!tpu.dma_semaphore, #tpu.memory_space<semaphore_mem>>)
      %dma_wait3A_35 = tpu.memref_slice %arg2[%mul3A_2] : memref<1600000xi32, #tpu.memory_space<hbm>> -> memref<2000xi32, #tpu.memory_space<hbm>>
      %dma_wait3A_36 = tpu.memref_slice %arg2[%mul3A_2] : memref<1600000xi32, #tpu.memory_space<hbm>> -> memref<2000xi32, #tpu.memory_space<hbm>>
      tpu.wait_dma2 semaphore(%arg9 : memref<!tpu.dma_semaphore, #tpu.memory_space<semaphore_mem>>) src(%dma_wait3A_36 : memref<2000xi32, #tpu.memory_space<hbm>>) dst(%arg5 : memref<2000xi32, #tpu.memory_space<vmem>>)
      "tpu.region"() ({
        %run_scoped3A = tpu.sem_alloc : memref<!tpu.dma_semaphore, #tpu.memory_space<semaphore_mem>>
        %dma_start3A_48 = arith.constant 0 : i32
        %dma_start3A_49 = arith.constant 0 : i32
        %dma_start3A_50 = tpu.memref_slice %arg8[%dma_start3A_48, %dma_start3A_49] : memref<50000x16xf32, #tpu.memory_space<vmem_shared>> -> memref<50000x16xf32, #tpu.memory_space<vmem_shared>>
        tpu.enqueue_indirect_dma source(%arg7 : memref<2000x16xf32, #tpu.memory_space<vmem>>) target(%dma_start3A_50 : memref<50000x16xf32, #tpu.memory_space<vmem_shared>>) offsets(%arg5 : memref<2000xi32, #tpu.memory_space<vmem>>) semaphore(%run_scoped3A : memref<!tpu.dma_semaphore, #tpu.memory_space<semaphore_mem>>) {add = true}
        %dma_wait3A_51 = arith.constant 0 : i32
        %dma_wait3A_52 = arith.constant 0 : i32
        %dma_wait3A_53 = tpu.memref_slice %arg8[%dma_wait3A_51, %dma_wait3A_52] : memref<50000x16xf32, #tpu.memory_space<vmem_shared>> -> memref<50000x16xf32, #tpu.memory_space<vmem_shared>>
        tpu.wait_indirect_dma semaphore(%run_scoped3A : memref<!tpu.dma_semaphore, #tpu.memory_space<semaphore_mem>>) src(%arg7 : memref<2000x16xf32, #tpu.memory_space<vmem>>) dst(%dma_wait3A_53 : memref<50000x16xf32, #tpu.memory_space<vmem_shared>>)
        tpu.yield
      }) : () -> ()
      %mul3A_37 = arith.constant 2 : i32
      %mul3A_38 = arith.muli %mul3A_37, %scan3A_25 : i32
      %add3A_39 = arith.constant 2 : i32
      %add3A_40 = arith.addi %mul3A_38, %add3A_39 : i32
      %mul3A_41 = arith.constant 2000 : i32
      %mul3A_42 = arith.muli %add3A_40, %mul3A_41 : i32
      %add3A_43 = arith.addi %mul3A_2, %mul3A_42 : i32
      %dma_start3A_44 = tpu.memref_slice %arg2[%add3A_43] : memref<1600000xi32, #tpu.memory_space<hbm>> -> memref<2000xi32, #tpu.memory_space<hbm>>
      %dma_start3A_45 = tpu.memref_slice %arg2[%add3A_43] : memref<1600000xi32, #tpu.memory_space<hbm>> -> memref<2000xi32, #tpu.memory_space<hbm>>
      tpu.enqueue_dma source(%dma_start3A_45 : memref<2000xi32, #tpu.memory_space<hbm>>) target(%arg5 : memref<2000xi32, #tpu.memory_space<vmem>>) target_semaphore(%arg9 : memref<!tpu.dma_semaphore, #tpu.memory_space<semaphore_mem>>)
      %dma_wait3A_46 = tpu.memref_slice %arg2[%mul3A_2] : memref<1600000xi32, #tpu.memory_space<hbm>> -> memref<2000xi32, #tpu.memory_space<hbm>>
      %dma_wait3A_47 = tpu.memref_slice %arg2[%mul3A_2] : memref<1600000xi32, #tpu.memory_space<hbm>> -> memref<2000xi32, #tpu.memory_space<hbm>>
      tpu.wait_dma2 semaphore(%arg10 : memref<!tpu.dma_semaphore, #tpu.memory_space<semaphore_mem>>) src(%dma_wait3A_47 : memref<2000xi32, #tpu.memory_space<hbm>>) dst(%arg6 : memref<2000xi32, #tpu.memory_space<vmem>>)
      "tpu.region"() ({
        %run_scoped3A = tpu.sem_alloc : memref<!tpu.dma_semaphore, #tpu.memory_space<semaphore_mem>>
        %dma_start3A_48 = arith.constant 0 : i32
        %dma_start3A_49 = arith.constant 0 : i32
        %dma_start3A_50 = tpu.memref_slice %arg8[%dma_start3A_48, %dma_start3A_49] : memref<50000x16xf32, #tpu.memory_space<vmem_shared>> -> memref<50000x16xf32, #tpu.memory_space<vmem_shared>>
        tpu.enqueue_indirect_dma source(%arg7 : memref<2000x16xf32, #tpu.memory_space<vmem>>) target(%dma_start3A_50 : memref<50000x16xf32, #tpu.memory_space<vmem_shared>>) offsets(%arg6 : memref<2000xi32, #tpu.memory_space<vmem>>) semaphore(%run_scoped3A : memref<!tpu.dma_semaphore, #tpu.memory_space<semaphore_mem>>) {add = true}
        %dma_wait3A_51 = arith.constant 0 : i32
        %dma_wait3A_52 = arith.constant 0 : i32
        %dma_wait3A_53 = tpu.memref_slice %arg8[%dma_wait3A_51, %dma_wait3A_52] : memref<50000x16xf32, #tpu.memory_space<vmem_shared>> -> memref<50000x16xf32, #tpu.memory_space<vmem_shared>>
        tpu.wait_indirect_dma semaphore(%run_scoped3A : memref<!tpu.dma_semaphore, #tpu.memory_space<semaphore_mem>>) src(%arg7 : memref<2000x16xf32, #tpu.memory_space<vmem>>) dst(%dma_wait3A_53 : memref<50000x16xf32, #tpu.memory_space<vmem_shared>>)
        tpu.yield
      }) : () -> ()
    }
    %scan3A_18 = arith.constant 12 : i32
    %dma_wait3A = tpu.memref_slice %arg2[%mul3A_2] : memref<1600000xi32, #tpu.memory_space<hbm>> -> memref<2000xi32, #tpu.memory_space<hbm>>
    %dma_wait3A_19 = tpu.memref_slice %arg2[%mul3A_2] : memref<1600000xi32, #tpu.memory_space<hbm>> -> memref<2000xi32, #tpu.memory_space<hbm>>
    tpu.wait_dma2 semaphore(%arg9 : memref<!tpu.dma_semaphore, #tpu.memory_space<semaphore_mem>>) src(%dma_wait3A_19 : memref<2000xi32, #tpu.memory_space<hbm>>) dst(%arg5 : memref<2000xi32, #tpu.memory_space<vmem>>)
    "tpu.region"() ({
      %run_scoped3A = tpu.sem_alloc : memref<!tpu.dma_semaphore, #tpu.memory_space<semaphore_mem>>
      %dma_start3A_25 = arith.constant 0 : i32
      %dma_start3A_26 = arith.constant 0 : i32
      %dma_start3A_27 = tpu.memref_slice %arg8[%dma_start3A_25, %dma_start3A_26] : memref<50000x16xf32, #tpu.memory_space<vmem_shared>> -> memref<50000x16xf32, #tpu.memory_space<vmem_shared>>
      tpu.enqueue_indirect_dma source(%arg7 : memref<2000x16xf32, #tpu.memory_space<vmem>>) target(%dma_start3A_27 : memref<50000x16xf32, #tpu.memory_space<vmem_shared>>) offsets(%arg5 : memref<2000xi32, #tpu.memory_space<vmem>>) semaphore(%run_scoped3A : memref<!tpu.dma_semaphore, #tpu.memory_space<semaphore_mem>>) {add = true}
      %dma_wait3A_28 = arith.constant 0 : i32
      %dma_wait3A_29 = arith.constant 0 : i32
      %dma_wait3A_30 = tpu.memref_slice %arg8[%dma_wait3A_28, %dma_wait3A_29] : memref<50000x16xf32, #tpu.memory_space<vmem_shared>> -> memref<50000x16xf32, #tpu.memory_space<vmem_shared>>
      tpu.wait_indirect_dma semaphore(%run_scoped3A : memref<!tpu.dma_semaphore, #tpu.memory_space<semaphore_mem>>) src(%arg7 : memref<2000x16xf32, #tpu.memory_space<vmem>>) dst(%dma_wait3A_30 : memref<50000x16xf32, #tpu.memory_space<vmem_shared>>)
      tpu.yield
    }) : () -> ()
    %barrier3A_20 = arith.constant 0 : index
    tpu.barrier barrier_id(%barrier3A_20)
    %mul3A_21 = arith.constant 3125 : i32
    %mul3A_22 = arith.muli %arg1, %mul3A_21 : i32
    %mul3A_23 = arith.constant 3125 : i32
    %mul3A_24 = arith.muli %arg1, %mul3A_23 : i32
    "tpu.region"() ({
      %run_scoped3A = tpu.sem_alloc : memref<!tpu.dma_semaphore, #tpu.memory_space<semaphore_mem>>
      %dma_start3A_25 = arith.constant 0 : i32
      %dma_start3A_26 = tpu.memref_slice %arg4[%arg0, %mul3A_24, %dma_start3A_25] : memref<2x50000x16xf32, #tpu.memory_space<hbm>> -> memref<1x3125x16xf32, #tpu.memory_space<hbm>>
      %dma_start3A_27 = tpu.memref_squeeze %dma_start3A_26 : memref<1x3125x16xf32, #tpu.memory_space<hbm>> -> memref<3125x16xf32, #tpu.memory_space<hbm>>
      %dma_start3A_28 = arith.constant 0 : i32
      %dma_start3A_29 = tpu.memref_slice %arg8[%mul3A_22, %dma_start3A_28] : memref<50000x16xf32, #tpu.memory_space<vmem_shared>> -> memref<3125x16xf32, #tpu.memory_space<vmem_shared>>
      tpu.enqueue_dma source(%dma_start3A_29 : memref<3125x16xf32, #tpu.memory_space<vmem_shared>>) target(%dma_start3A_27 : memref<3125x16xf32, #tpu.memory_space<hbm>>) target_semaphore(%run_scoped3A : memref<!tpu.dma_semaphore, #tpu.memory_space<semaphore_mem>>)
      %dma_wait3A_30 = arith.constant 0 : i32
      %dma_wait3A_31 = tpu.memref_slice %arg4[%arg0, %mul3A_24, %dma_wait3A_30] : memref<2x50000x16xf32, #tpu.memory_space<hbm>> -> memref<1x3125x16xf32, #tpu.memory_space<hbm>>
      %dma_wait3A_32 = tpu.memref_squeeze %dma_wait3A_31 : memref<1x3125x16xf32, #tpu.memory_space<hbm>> -> memref<3125x16xf32, #tpu.memory_space<hbm>>
      %dma_wait3A_33 = arith.constant 0 : i32
      %dma_wait3A_34 = tpu.memref_slice %arg8[%mul3A_22, %dma_wait3A_33] : memref<50000x16xf32, #tpu.memory_space<vmem_shared>> -> memref<3125x16xf32, #tpu.memory_space<vmem_shared>>
      tpu.wait_dma2 semaphore(%run_scoped3A : memref<!tpu.dma_semaphore, #tpu.memory_space<semaphore_mem>>) src(%dma_wait3A_34 : memref<3125x16xf32, #tpu.memory_space<vmem_shared>>) dst(%dma_wait3A_32 : memref<3125x16xf32, #tpu.memory_space<hbm>>)
      tpu.yield
    }) : () -> ()
    return
  }
}

#map = affine_map<(d0, d1) -> (0, 0)>
#map1 = affine_map<(d0, d1) -> (0)>
#map2 = affine_map<(d0, d1) -> (0, 0, 0)>
module attributes {stable_mosaic.version = 14 : i64} {
  func.func @msg_kernel(%arg0: i32, %arg1: i32, %arg2: memref<50000x16xf32, #tpu.memory_space<hbm>>, %arg3: memref<1600000xi32, #tpu.memory_space<hbm>>, %arg4: memref<1600000xi32, #tpu.memory_space<hbm>>, %arg5: memref<50000x16xf32, #tpu.memory_space<hbm>>, %arg6: memref<2x50000x16xf32, #tpu.memory_space<hbm>>, %arg7: memref<2000xi32, #tpu.memory_space<vmem>>, %arg8: memref<2000xi32, #tpu.memory_space<vmem>>, %arg9: memref<2000xi32, #tpu.memory_space<vmem>>, %arg10: memref<2000xi32, #tpu.memory_space<vmem>>, %arg11: memref<2000x16xf32, #tpu.memory_space<vmem>>, %arg12: memref<2000x16xf32, #tpu.memory_space<vmem>>, %arg13: memref<50000x16xf32, #tpu.memory_space<vmem_shared>>, %arg14: memref<!tpu.dma_semaphore, #tpu.memory_space<semaphore_mem>>, %arg15: memref<!tpu.dma_semaphore, #tpu.memory_space<semaphore_mem>>) attributes {dimension_semantics = [#tpu.dimension_semantics<core_parallel>, #tpu.dimension_semantics<subcore_parallel>], iteration_bounds = array<i64: 2, 16>, scalar_prefetch = 0 : i64, scratch_operands = 9 : i64, tpu.core_type = #tpu.core_type<sc_vector_subcore>, window_params = [{transform_indices = #map}, {transform_indices = #map1}, {transform_indices = #map1}, {transform_indices = #map}, {transform_indices = #map2}]} {
    %mul3A = arith.constant 2 : i32
    %mul3A_0 = arith.muli %arg1, %mul3A : i32
    %add3A = arith.addi %mul3A_0, %arg0 : i32
    %mul3A_1 = arith.constant 50000 : i32
    %mul3A_2 = arith.muli %add3A, %mul3A_1 : i32
    %mul3A_3 = arith.constant 3125 : i32
    %mul3A_4 = arith.muli %arg1, %mul3A_3 : i32
    %mul3A_5 = arith.constant 3125 : i32
    %mul3A_6 = arith.muli %arg1, %mul3A_5 : i32
    "tpu.region"() ({
      %run_scoped3A = tpu.sem_alloc : memref<!tpu.dma_semaphore, #tpu.memory_space<semaphore_mem>>
      %dma_start3A_45 = arith.constant 0 : i32
      %dma_start3A_46 = tpu.memref_slice %arg13[%mul3A_6, %dma_start3A_45] : memref<50000x16xf32, #tpu.memory_space<vmem_shared>> -> memref<3125x16xf32, #tpu.memory_space<vmem_shared>>
      %dma_start3A_47 = arith.constant 0 : i32
      %dma_start3A_48 = tpu.memref_slice %arg5[%mul3A_4, %dma_start3A_47] : memref<50000x16xf32, #tpu.memory_space<hbm>> -> memref<3125x16xf32, #tpu.memory_space<hbm>>
      tpu.enqueue_dma source(%dma_start3A_48 : memref<3125x16xf32, #tpu.memory_space<hbm>>) target(%dma_start3A_46 : memref<3125x16xf32, #tpu.memory_space<vmem_shared>>) target_semaphore(%run_scoped3A : memref<!tpu.dma_semaphore, #tpu.memory_space<semaphore_mem>>)
      %dma_wait3A_49 = arith.constant 0 : i32
      %dma_wait3A_50 = tpu.memref_slice %arg13[%mul3A_6, %dma_wait3A_49] : memref<50000x16xf32, #tpu.memory_space<vmem_shared>> -> memref<3125x16xf32, #tpu.memory_space<vmem_shared>>
      %dma_wait3A_51 = arith.constant 0 : i32
      %dma_wait3A_52 = tpu.memref_slice %arg5[%mul3A_4, %dma_wait3A_51] : memref<50000x16xf32, #tpu.memory_space<hbm>> -> memref<3125x16xf32, #tpu.memory_space<hbm>>
      tpu.wait_dma2 semaphore(%run_scoped3A : memref<!tpu.dma_semaphore, #tpu.memory_space<semaphore_mem>>) src(%dma_wait3A_52 : memref<3125x16xf32, #tpu.memory_space<hbm>>) dst(%dma_wait3A_50 : memref<3125x16xf32, #tpu.memory_space<vmem_shared>>)
      tpu.yield
    }) : () -> ()
    %barrier3A = arith.constant 0 : index
    tpu.barrier barrier_id(%barrier3A)
    %add3A_7 = arith.constant 0 : i32
    %add3A_8 = arith.addi %mul3A_2, %add3A_7 : i32
    %dma_start3A = tpu.memref_slice %arg3[%add3A_8] : memref<1600000xi32, #tpu.memory_space<hbm>> -> memref<2000xi32, #tpu.memory_space<hbm>>
    %dma_start3A_9 = tpu.memref_slice %arg3[%add3A_8] : memref<1600000xi32, #tpu.memory_space<hbm>> -> memref<2000xi32, #tpu.memory_space<hbm>>
    tpu.enqueue_dma source(%dma_start3A_9 : memref<2000xi32, #tpu.memory_space<hbm>>) target(%arg7 : memref<2000xi32, #tpu.memory_space<vmem>>) target_semaphore(%arg14 : memref<!tpu.dma_semaphore, #tpu.memory_space<semaphore_mem>>)
    %add3A_10 = arith.constant 0 : i32
    %add3A_11 = arith.addi %mul3A_2, %add3A_10 : i32
    %dma_start3A_12 = tpu.memref_slice %arg4[%add3A_11] : memref<1600000xi32, #tpu.memory_space<hbm>> -> memref<2000xi32, #tpu.memory_space<hbm>>
    %dma_start3A_13 = tpu.memref_slice %arg4[%add3A_11] : memref<1600000xi32, #tpu.memory_space<hbm>> -> memref<2000xi32, #tpu.memory_space<hbm>>
    tpu.enqueue_dma source(%dma_start3A_13 : memref<2000xi32, #tpu.memory_space<hbm>>) target(%arg8 : memref<2000xi32, #tpu.memory_space<vmem>>) target_semaphore(%arg14 : memref<!tpu.dma_semaphore, #tpu.memory_space<semaphore_mem>>)
    %add3A_14 = arith.constant 2000 : i32
    %add3A_15 = arith.addi %mul3A_2, %add3A_14 : i32
    %dma_start3A_16 = tpu.memref_slice %arg3[%add3A_15] : memref<1600000xi32, #tpu.memory_space<hbm>> -> memref<2000xi32, #tpu.memory_space<hbm>>
    %dma_start3A_17 = tpu.memref_slice %arg3[%add3A_15] : memref<1600000xi32, #tpu.memory_space<hbm>> -> memref<2000xi32, #tpu.memory_space<hbm>>
    tpu.enqueue_dma source(%dma_start3A_17 : memref<2000xi32, #tpu.memory_space<hbm>>) target(%arg9 : memref<2000xi32, #tpu.memory_space<vmem>>) target_semaphore(%arg15 : memref<!tpu.dma_semaphore, #tpu.memory_space<semaphore_mem>>)
    %add3A_18 = arith.constant 2000 : i32
    %add3A_19 = arith.addi %mul3A_2, %add3A_18 : i32
    %dma_start3A_20 = tpu.memref_slice %arg4[%add3A_19] : memref<1600000xi32, #tpu.memory_space<hbm>> -> memref<2000xi32, #tpu.memory_space<hbm>>
    %dma_start3A_21 = tpu.memref_slice %arg4[%add3A_19] : memref<1600000xi32, #tpu.memory_space<hbm>> -> memref<2000xi32, #tpu.memory_space<hbm>>
    tpu.enqueue_dma source(%dma_start3A_21 : memref<2000xi32, #tpu.memory_space<hbm>>) target(%arg10 : memref<2000xi32, #tpu.memory_space<vmem>>) target_semaphore(%arg15 : memref<!tpu.dma_semaphore, #tpu.memory_space<semaphore_mem>>)
    %dma_wait3A = tpu.memref_slice %arg3[%mul3A_2] : memref<1600000xi32, #tpu.memory_space<hbm>> -> memref<2000xi32, #tpu.memory_space<hbm>>
    %dma_wait3A_22 = tpu.memref_slice %arg3[%mul3A_2] : memref<1600000xi32, #tpu.memory_space<hbm>> -> memref<2000xi32, #tpu.memory_space<hbm>>
    tpu.wait_dma2 semaphore(%arg14 : memref<!tpu.dma_semaphore, #tpu.memory_space<semaphore_mem>>) src(%dma_wait3A_22 : memref<2000xi32, #tpu.memory_space<hbm>>) dst(%arg7 : memref<2000xi32, #tpu.memory_space<vmem>>)
    %dma_wait3A_23 = tpu.memref_slice %arg4[%mul3A_2] : memref<1600000xi32, #tpu.memory_space<hbm>> -> memref<2000xi32, #tpu.memory_space<hbm>>
    %dma_wait3A_24 = tpu.memref_slice %arg4[%mul3A_2] : memref<1600000xi32, #tpu.memory_space<hbm>> -> memref<2000xi32, #tpu.memory_space<hbm>>
    tpu.wait_dma2 semaphore(%arg14 : memref<!tpu.dma_semaphore, #tpu.memory_space<semaphore_mem>>) src(%dma_wait3A_24 : memref<2000xi32, #tpu.memory_space<hbm>>) dst(%arg8 : memref<2000xi32, #tpu.memory_space<vmem>>)
    %dma_start3A_25 = arith.constant 0 : i32
    %dma_start3A_26 = arith.constant 0 : i32
    %dma_start3A_27 = tpu.memref_slice %arg2[%dma_start3A_25, %dma_start3A_26] : memref<50000x16xf32, #tpu.memory_space<hbm>> -> memref<50000x16xf32, #tpu.memory_space<hbm>>
    tpu.enqueue_indirect_dma source(%dma_start3A_27 : memref<50000x16xf32, #tpu.memory_space<hbm>>) target(%arg11 : memref<2000x16xf32, #tpu.memory_space<vmem>>) offsets(%arg7 : memref<2000xi32, #tpu.memory_space<vmem>>) semaphore(%arg14 : memref<!tpu.dma_semaphore, #tpu.memory_space<semaphore_mem>>)
    %scan3A = arith.constant 0 : i32
    %scan3A_28 = arith.constant 0 : i32
    %scan3A_29 = arith.constant 12 : i32
    %scan3A_30 = arith.addi %scan3A_28, %scan3A_29 : i32
    %scan3A_31 = arith.constant 1 : i32
    scf.for %scan3A_45 = %scan3A_28 to %scan3A_30 step %scan3A_31  : i32 {
      %dma_wait3A_46 = tpu.memref_slice %arg3[%mul3A_2] : memref<1600000xi32, #tpu.memory_space<hbm>> -> memref<2000xi32, #tpu.memory_space<hbm>>
      %dma_wait3A_47 = tpu.memref_slice %arg3[%mul3A_2] : memref<1600000xi32, #tpu.memory_space<hbm>> -> memref<2000xi32, #tpu.memory_space<hbm>>
      tpu.wait_dma2 semaphore(%arg15 : memref<!tpu.dma_semaphore, #tpu.memory_space<semaphore_mem>>) src(%dma_wait3A_47 : memref<2000xi32, #tpu.memory_space<hbm>>) dst(%arg9 : memref<2000xi32, #tpu.memory_space<vmem>>)
      %dma_wait3A_48 = tpu.memref_slice %arg4[%mul3A_2] : memref<1600000xi32, #tpu.memory_space<hbm>> -> memref<2000xi32, #tpu.memory_space<hbm>>
      %dma_wait3A_49 = tpu.memref_slice %arg4[%mul3A_2] : memref<1600000xi32, #tpu.memory_space<hbm>> -> memref<2000xi32, #tpu.memory_space<hbm>>
      tpu.wait_dma2 semaphore(%arg15 : memref<!tpu.dma_semaphore, #tpu.memory_space<semaphore_mem>>) src(%dma_wait3A_49 : memref<2000xi32, #tpu.memory_space<hbm>>) dst(%arg10 : memref<2000xi32, #tpu.memory_space<vmem>>)
      %dma_start3A_50 = arith.constant 0 : i32
      %dma_start3A_51 = arith.constant 0 : i32
      %dma_start3A_52 = tpu.memref_slice %arg2[%dma_start3A_50, %dma_start3A_51] : memref<50000x16xf32, #tpu.memory_space<hbm>> -> memref<50000x16xf32, #tpu.memory_space<hbm>>
      tpu.enqueue_indirect_dma source(%dma_start3A_52 : memref<50000x16xf32, #tpu.memory_space<hbm>>) target(%arg12 : memref<2000x16xf32, #tpu.memory_space<vmem>>) offsets(%arg9 : memref<2000xi32, #tpu.memory_space<vmem>>) semaphore(%arg15 : memref<!tpu.dma_semaphore, #tpu.memory_space<semaphore_mem>>)
      %dma_wait3A_53 = arith.constant 0 : i32
      %dma_wait3A_54 = arith.constant 0 : i32
      %dma_wait3A_55 = tpu.memref_slice %arg2[%dma_wait3A_53, %dma_wait3A_54] : memref<50000x16xf32, #tpu.memory_space<hbm>> -> memref<50000x16xf32, #tpu.memory_space<hbm>>
      tpu.wait_indirect_dma semaphore(%arg14 : memref<!tpu.dma_semaphore, #tpu.memory_space<semaphore_mem>>) src(%dma_wait3A_55 : memref<50000x16xf32, #tpu.memory_space<hbm>>) dst(%arg11 : memref<2000x16xf32, #tpu.memory_space<vmem>>)
      "tpu.region"() ({
        %run_scoped3A = tpu.sem_alloc : memref<!tpu.dma_semaphore, #tpu.memory_space<semaphore_mem>>
        %dma_start3A_95 = arith.constant 0 : i32
        %dma_start3A_96 = arith.constant 0 : i32
        %dma_start3A_97 = tpu.memref_slice %arg13[%dma_start3A_95, %dma_start3A_96] : memref<50000x16xf32, #tpu.memory_space<vmem_shared>> -> memref<50000x16xf32, #tpu.memory_space<vmem_shared>>
        tpu.enqueue_indirect_dma source(%arg11 : memref<2000x16xf32, #tpu.memory_space<vmem>>) target(%dma_start3A_97 : memref<50000x16xf32, #tpu.memory_space<vmem_shared>>) offsets(%arg8 : memref<2000xi32, #tpu.memory_space<vmem>>) semaphore(%run_scoped3A : memref<!tpu.dma_semaphore, #tpu.memory_space<semaphore_mem>>) {add = true}
        %dma_wait3A_98 = arith.constant 0 : i32
        %dma_wait3A_99 = arith.constant 0 : i32
        %dma_wait3A_100 = tpu.memref_slice %arg13[%dma_wait3A_98, %dma_wait3A_99] : memref<50000x16xf32, #tpu.memory_space<vmem_shared>> -> memref<50000x16xf32, #tpu.memory_space<vmem_shared>>
        tpu.wait_indirect_dma semaphore(%run_scoped3A : memref<!tpu.dma_semaphore, #tpu.memory_space<semaphore_mem>>) src(%arg11 : memref<2000x16xf32, #tpu.memory_space<vmem>>) dst(%dma_wait3A_100 : memref<50000x16xf32, #tpu.memory_space<vmem_shared>>)
        tpu.yield
      }) : () -> ()
      %mul3A_56 = arith.constant 2 : i32
      %mul3A_57 = arith.muli %mul3A_56, %scan3A_45 : i32
      %add3A_58 = arith.constant 2 : i32
      %add3A_59 = arith.addi %mul3A_57, %add3A_58 : i32
      %mul3A_60 = arith.constant 2000 : i32
      %mul3A_61 = arith.muli %add3A_59, %mul3A_60 : i32
      %add3A_62 = arith.addi %mul3A_2, %mul3A_61 : i32
      %dma_start3A_63 = tpu.memref_slice %arg3[%add3A_62] : memref<1600000xi32, #tpu.memory_space<hbm>> -> memref<2000xi32, #tpu.memory_space<hbm>>
      %dma_start3A_64 = tpu.memref_slice %arg3[%add3A_62] : memref<1600000xi32, #tpu.memory_space<hbm>> -> memref<2000xi32, #tpu.memory_space<hbm>>
      tpu.enqueue_dma source(%dma_start3A_64 : memref<2000xi32, #tpu.memory_space<hbm>>) target(%arg7 : memref<2000xi32, #tpu.memory_space<vmem>>) target_semaphore(%arg14 : memref<!tpu.dma_semaphore, #tpu.memory_space<semaphore_mem>>)
      %mul3A_65 = arith.constant 2000 : i32
      %mul3A_66 = arith.muli %add3A_59, %mul3A_65 : i32
      %add3A_67 = arith.addi %mul3A_2, %mul3A_66 : i32
      %dma_start3A_68 = tpu.memref_slice %arg4[%add3A_67] : memref<1600000xi32, #tpu.memory_space<hbm>> -> memref<2000xi32, #tpu.memory_space<hbm>>
      %dma_start3A_69 = tpu.memref_slice %arg4[%add3A_67] : memref<1600000xi32, #tpu.memory_space<hbm>> -> memref<2000xi32, #tpu.memory_space<hbm>>
      tpu.enqueue_dma source(%dma_start3A_69 : memref<2000xi32, #tpu.memory_space<hbm>>) target(%arg8 : memref<2000xi32, #tpu.memory_space<vmem>>) target_semaphore(%arg14 : memref<!tpu.dma_semaphore, #tpu.memory_space<semaphore_mem>>)
      %dma_wait3A_70 = tpu.memref_slice %arg3[%mul3A_2] : memref<1600000xi32, #tpu.memory_space<hbm>> -> memref<2000xi32, #tpu.memory_space<hbm>>
      %dma_wait3A_71 = tpu.memref_slice %arg3[%mul3A_2] : memref<1600000xi32, #tpu.memory_space<hbm>> -> memref<2000xi32, #tpu.memory_space<hbm>>
      tpu.wait_dma2 semaphore(%arg14 : memref<!tpu.dma_semaphore, #tpu.memory_space<semaphore_mem>>) src(%dma_wait3A_71 : memref<2000xi32, #tpu.memory_space<hbm>>) dst(%arg7 : memref<2000xi32, #tpu.memory_space<vmem>>)
      %dma_wait3A_72 = tpu.memref_slice %arg4[%mul3A_2] : memref<1600000xi32, #tpu.memory_space<hbm>> -> memref<2000xi32, #tpu.memory_space<hbm>>
      %dma_wait3A_73 = tpu.memref_slice %arg4[%mul3A_2] : memref<1600000xi32, #tpu.memory_space<hbm>> -> memref<2000xi32, #tpu.memory_space<hbm>>
      tpu.wait_dma2 semaphore(%arg14 : memref<!tpu.dma_semaphore, #tpu.memory_space<semaphore_mem>>) src(%dma_wait3A_73 : memref<2000xi32, #tpu.memory_space<hbm>>) dst(%arg8 : memref<2000xi32, #tpu.memory_space<vmem>>)
      %dma_start3A_74 = arith.constant 0 : i32
      %dma_start3A_75 = arith.constant 0 : i32
      %dma_start3A_76 = tpu.memref_slice %arg2[%dma_start3A_74, %dma_start3A_75] : memref<50000x16xf32, #tpu.memory_space<hbm>> -> memref<50000x16xf32, #tpu.memory_space<hbm>>
      tpu.enqueue_indirect_dma source(%dma_start3A_76 : memref<50000x16xf32, #tpu.memory_space<hbm>>) target(%arg11 : memref<2000x16xf32, #tpu.memory_space<vmem>>) offsets(%arg7 : memref<2000xi32, #tpu.memory_space<vmem>>) semaphore(%arg14 : memref<!tpu.dma_semaphore, #tpu.memory_space<semaphore_mem>>)
      %dma_wait3A_77 = arith.constant 0 : i32
      %dma_wait3A_78 = arith.constant 0 : i32
      %dma_wait3A_79 = tpu.memref_slice %arg2[%dma_wait3A_77, %dma_wait3A_78] : memref<50000x16xf32, #tpu.memory_space<hbm>> -> memref<50000x16xf32, #tpu.memory_space<hbm>>
      tpu.wait_indirect_dma semaphore(%arg15 : memref<!tpu.dma_semaphore, #tpu.memory_space<semaphore_mem>>) src(%dma_wait3A_79 : memref<50000x16xf32, #tpu.memory_space<hbm>>) dst(%arg12 : memref<2000x16xf32, #tpu.memory_space<vmem>>)
      "tpu.region"() ({
        %run_scoped3A = tpu.sem_alloc : memref<!tpu.dma_semaphore, #tpu.memory_space<semaphore_mem>>
        %dma_start3A_95 = arith.constant 0 : i32
        %dma_start3A_96 = arith.constant 0 : i32
        %dma_start3A_97 = tpu.memref_slice %arg13[%dma_start3A_95, %dma_start3A_96] : memref<50000x16xf32, #tpu.memory_space<vmem_shared>> -> memref<50000x16xf32, #tpu.memory_space<vmem_shared>>
        tpu.enqueue_indirect_dma source(%arg12 : memref<2000x16xf32, #tpu.memory_space<vmem>>) target(%dma_start3A_97 : memref<50000x16xf32, #tpu.memory_space<vmem_shared>>) offsets(%arg10 : memref<2000xi32, #tpu.memory_space<vmem>>) semaphore(%run_scoped3A : memref<!tpu.dma_semaphore, #tpu.memory_space<semaphore_mem>>) {add = true}
        %dma_wait3A_98 = arith.constant 0 : i32
        %dma_wait3A_99 = arith.constant 0 : i32
        %dma_wait3A_100 = tpu.memref_slice %arg13[%dma_wait3A_98, %dma_wait3A_99] : memref<50000x16xf32, #tpu.memory_space<vmem_shared>> -> memref<50000x16xf32, #tpu.memory_space<vmem_shared>>
        tpu.wait_indirect_dma semaphore(%run_scoped3A : memref<!tpu.dma_semaphore, #tpu.memory_space<semaphore_mem>>) src(%arg12 : memref<2000x16xf32, #tpu.memory_space<vmem>>) dst(%dma_wait3A_100 : memref<50000x16xf32, #tpu.memory_space<vmem_shared>>)
        tpu.yield
      }) : () -> ()
      %mul3A_80 = arith.constant 2 : i32
      %mul3A_81 = arith.muli %mul3A_80, %scan3A_45 : i32
      %add3A_82 = arith.constant 3 : i32
      %add3A_83 = arith.addi %mul3A_81, %add3A_82 : i32
      %min3A = arith.constant 24 : i32
      %min3A_84 = arith.minsi %add3A_83, %min3A : i32
      %mul3A_85 = arith.constant 2000 : i32
      %mul3A_86 = arith.muli %min3A_84, %mul3A_85 : i32
      %add3A_87 = arith.addi %mul3A_2, %mul3A_86 : i32
      %dma_start3A_88 = tpu.memref_slice %arg3[%add3A_87] : memref<1600000xi32, #tpu.memory_space<hbm>> -> memref<2000xi32, #tpu.memory_space<hbm>>
      %dma_start3A_89 = tpu.memref_slice %arg3[%add3A_87] : memref<1600000xi32, #tpu.memory_space<hbm>> -> memref<2000xi32, #tpu.memory_space<hbm>>
      tpu.enqueue_dma source(%dma_start3A_89 : memref<2000xi32, #tpu.memory_space<hbm>>) target(%arg9 : memref<2000xi32, #tpu.memory_space<vmem>>) target_semaphore(%arg15 : memref<!tpu.dma_semaphore, #tpu.memory_space<semaphore_mem>>)
      %mul3A_90 = arith.constant 2000 : i32
      %mul3A_91 = arith.muli %min3A_84, %mul3A_90 : i32
      %add3A_92 = arith.addi %mul3A_2, %mul3A_91 : i32
      %dma_start3A_93 = tpu.memref_slice %arg4[%add3A_92] : memref<1600000xi32, #tpu.memory_space<hbm>> -> memref<2000xi32, #tpu.memory_space<hbm>>
      %dma_start3A_94 = tpu.memref_slice %arg4[%add3A_92] : memref<1600000xi32, #tpu.memory_space<hbm>> -> memref<2000xi32, #tpu.memory_space<hbm>>
      tpu.enqueue_dma source(%dma_start3A_94 : memref<2000xi32, #tpu.memory_space<hbm>>) target(%arg10 : memref<2000xi32, #tpu.memory_space<vmem>>) target_semaphore(%arg15 : memref<!tpu.dma_semaphore, #tpu.memory_space<semaphore_mem>>)
    }
    %scan3A_32 = arith.constant 12 : i32
    %dma_wait3A_33 = tpu.memref_slice %arg3[%mul3A_2] : memref<1600000xi32, #tpu.memory_space<hbm>> -> memref<2000xi32, #tpu.memory_space<hbm>>
    %dma_wait3A_34 = tpu.memref_slice %arg3[%mul3A_2] : memref<1600000xi32, #tpu.memory_space<hbm>> -> memref<2000xi32, #tpu.memory_space<hbm>>
    tpu.wait_dma2 semaphore(%arg15 : memref<!tpu.dma_semaphore, #tpu.memory_space<semaphore_mem>>) src(%dma_wait3A_34 : memref<2000xi32, #tpu.memory_space<hbm>>) dst(%arg9 : memref<2000xi32, #tpu.memory_space<vmem>>)
    %dma_wait3A_35 = tpu.memref_slice %arg4[%mul3A_2] : memref<1600000xi32, #tpu.memory_space<hbm>> -> memref<2000xi32, #tpu.memory_space<hbm>>
    %dma_wait3A_36 = tpu.memref_slice %arg4[%mul3A_2] : memref<1600000xi32, #tpu.memory_space<hbm>> -> memref<2000xi32, #tpu.memory_space<hbm>>
    tpu.wait_dma2 semaphore(%arg15 : memref<!tpu.dma_semaphore, #tpu.memory_space<semaphore_mem>>) src(%dma_wait3A_36 : memref<2000xi32, #tpu.memory_space<hbm>>) dst(%arg10 : memref<2000xi32, #tpu.memory_space<vmem>>)
    %dma_wait3A_37 = arith.constant 0 : i32
    %dma_wait3A_38 = arith.constant 0 : i32
    %dma_wait3A_39 = tpu.memref_slice %arg2[%dma_wait3A_37, %dma_wait3A_38] : memref<50000x16xf32, #tpu.memory_space<hbm>> -> memref<50000x16xf32, #tpu.memory_space<hbm>>
    tpu.wait_indirect_dma semaphore(%arg14 : memref<!tpu.dma_semaphore, #tpu.memory_space<semaphore_mem>>) src(%dma_wait3A_39 : memref<50000x16xf32, #tpu.memory_space<hbm>>) dst(%arg11 : memref<2000x16xf32, #tpu.memory_space<vmem>>)
    "tpu.region"() ({
      %run_scoped3A = tpu.sem_alloc : memref<!tpu.dma_semaphore, #tpu.memory_space<semaphore_mem>>
      %dma_start3A_45 = arith.constant 0 : i32
      %dma_start3A_46 = arith.constant 0 : i32
      %dma_start3A_47 = tpu.memref_slice %arg13[%dma_start3A_45, %dma_start3A_46] : memref<50000x16xf32, #tpu.memory_space<vmem_shared>> -> memref<50000x16xf32, #tpu.memory_space<vmem_shared>>
      tpu.enqueue_indirect_dma source(%arg11 : memref<2000x16xf32, #tpu.memory_space<vmem>>) target(%dma_start3A_47 : memref<50000x16xf32, #tpu.memory_space<vmem_shared>>) offsets(%arg8 : memref<2000xi32, #tpu.memory_space<vmem>>) semaphore(%run_scoped3A : memref<!tpu.dma_semaphore, #tpu.memory_space<semaphore_mem>>) {add = true}
      %dma_wait3A_48 = arith.constant 0 : i32
      %dma_wait3A_49 = arith.constant 0 : i32
      %dma_wait3A_50 = tpu.memref_slice %arg13[%dma_wait3A_48, %dma_wait3A_49] : memref<50000x16xf32, #tpu.memory_space<vmem_shared>> -> memref<50000x16xf32, #tpu.memory_space<vmem_shared>>
      tpu.wait_indirect_dma semaphore(%run_scoped3A : memref<!tpu.dma_semaphore, #tpu.memory_space<semaphore_mem>>) src(%arg11 : memref<2000x16xf32, #tpu.memory_space<vmem>>) dst(%dma_wait3A_50 : memref<50000x16xf32, #tpu.memory_space<vmem_shared>>)
      tpu.yield
    }) : () -> ()
    %barrier3A_40 = arith.constant 0 : index
    tpu.barrier barrier_id(%barrier3A_40)
    %mul3A_41 = arith.constant 3125 : i32
    %mul3A_42 = arith.muli %arg1, %mul3A_41 : i32
    %mul3A_43 = arith.constant 3125 : i32
    %mul3A_44 = arith.muli %arg1, %mul3A_43 : i32
    "tpu.region"() ({
      %run_scoped3A = tpu.sem_alloc : memref<!tpu.dma_semaphore, #tpu.memory_space<semaphore_mem>>
      %dma_start3A_45 = arith.constant 0 : i32
      %dma_start3A_46 = tpu.memref_slice %arg6[%arg0, %mul3A_44, %dma_start3A_45] : memref<2x50000x16xf32, #tpu.memory_space<hbm>> -> memref<1x3125x16xf32, #tpu.memory_space<hbm>>
      %dma_start3A_47 = tpu.memref_squeeze %dma_start3A_46 : memref<1x3125x16xf32, #tpu.memory_space<hbm>> -> memref<3125x16xf32, #tpu.memory_space<hbm>>
      %dma_start3A_48 = arith.constant 0 : i32
      %dma_start3A_49 = tpu.memref_slice %arg13[%mul3A_42, %dma_start3A_48] : memref<50000x16xf32, #tpu.memory_space<vmem_shared>> -> memref<3125x16xf32, #tpu.memory_space<vmem_shared>>
      tpu.enqueue_dma source(%dma_start3A_49 : memref<3125x16xf32, #tpu.memory_space<vmem_shared>>) target(%dma_start3A_47 : memref<3125x16xf32, #tpu.memory_space<hbm>>) target_semaphore(%run_scoped3A : memref<!tpu.dma_semaphore, #tpu.memory_space<semaphore_mem>>)
      %dma_wait3A_50 = arith.constant 0 : i32
      %dma_wait3A_51 = tpu.memref_slice %arg6[%arg0, %mul3A_44, %dma_wait3A_50] : memref<2x50000x16xf32, #tpu.memory_space<hbm>> -> memref<1x3125x16xf32, #tpu.memory_space<hbm>>
      %dma_wait3A_52 = tpu.memref_squeeze %dma_wait3A_51 : memref<1x3125x16xf32, #tpu.memory_space<hbm>> -> memref<3125x16xf32, #tpu.memory_space<hbm>>
      %dma_wait3A_53 = arith.constant 0 : i32
      %dma_wait3A_54 = tpu.memref_slice %arg13[%mul3A_42, %dma_wait3A_53] : memref<50000x16xf32, #tpu.memory_space<vmem_shared>> -> memref<3125x16xf32, #tpu.memory_space<vmem_shared>>
      tpu.wait_dma2 semaphore(%run_scoped3A : memref<!tpu.dma_semaphore, #tpu.memory_space<semaphore_mem>>) src(%dma_wait3A_54 : memref<3125x16xf32, #tpu.memory_space<vmem_shared>>) dst(%dma_wait3A_52 : memref<3125x16xf32, #tpu.memory_space<hbm>>)
      tpu.yield
    }) : () -> ()
    return
  }
}

module attributes {stable_mosaic.version = 14 : i64} {
  func.func @_mm_body(%arg0: i32, %arg1: memref<1433x2048xf32, #tpu.memory_space<vmem>>, %arg2: memref<1433x16xf32, #tpu.memory_space<vmem>>, %arg3: memref<2048x16xf32, #tpu.memory_space<vmem>>) attributes {dimension_semantics = [#tpu.dimension_semantics<arbitrary>], iteration_bounds = array<i64: 25>, scalar_prefetch = 0 : i64, scratch_operands = 0 : i64, tpu.core_type = #tpu.core_type<tc>, window_params = [{transform_indices = @transform_0, window_bounds = array<i64: 1433, 2048>}, {pipeline_mode = #tpu.pipeline_mode<synchronous>, transform_indices = @transform_1, window_bounds = array<i64: 1433, 16>}, {transform_indices = @transform_2, window_bounds = array<i64: 2048, 16>}]} {
    %get3A = arith.constant 0 : index
    %get3A_0 = arith.constant 0 : index
    %get3A_1 = vector.load %arg1[%get3A, %get3A_0] : memref<1433x2048xf32, #tpu.memory_space<vmem>>, vector<1433x2048xf32>
    %get3A_2 = arith.constant 0 : index
    %get3A_3 = arith.constant 0 : index
    %get3A_4 = vector.load %arg2[%get3A_2, %get3A_3] : memref<1433x16xf32, #tpu.memory_space<vmem>>, vector<1433x16xf32>
    %dot_general3A = arith.constant dense<0.000000e+00> : vector<2048x16xf32>
    %dot_general3A_5 = tpu.matmul %get3A_1, %get3A_4, %dot_general3A {dimension_numbers = #tpu.dot_dimension_numbers<[0], [0], [1], [1], [0, 1, 1, 1], [], []>, transpose_lhs_hint = false} : vector<1433x2048xf32>, vector<1433x16xf32>, vector<2048x16xf32> -> vector<2048x16xf32>
    %swap3A = arith.constant 0 : index
    %swap3A_6 = arith.constant 0 : index
    %swap3A_7 = vector.load %arg3[%swap3A, %swap3A_6] : memref<2048x16xf32, #tpu.memory_space<vmem>>, vector<2048x16xf32>
    tpu.vector_store %arg3[%swap3A, %swap3A_6], %dot_general3A_5 {strides = array<i32>} : memref<2048x16xf32, #tpu.memory_space<vmem>>, vector<2048x16xf32>,
    return
  }
  func.func @transform_0(%arg0: i32) -> (i32, i32) {
    %c0_i32 = arith.constant 0 : i32
    %c0_i32_0 = arith.constant 0 : i32
    return %c0_i32, %arg0 : i32, i32
  }
  func.func @transform_1(%arg0: i32) -> (i32, i32) {
    %c0_i32 = arith.constant 0 : i32
    %c0_i32_0 = arith.constant 0 : i32
    %c0_i32_1 = arith.constant 0 : i32
    return %c0_i32, %c0_i32_0 : i32, i32
  }
  func.func @transform_2(%arg0: i32) -> (i32, i32) {
    %c0_i32 = arith.constant 0 : i32
    %c0_i32_0 = arith.constant 0 : i32
    return %arg0, %c0_i32 : i32, i32
  }
}

module attributes {stable_mosaic.version = 14 : i64} {
  func.func @_scale_body(%arg0: i32, %arg1: memref<2000x16xf32, #tpu.memory_space<vmem>>, %arg2: memref<1x2000x16xf32, #tpu.memory_space<vmem>>, %arg3: memref<1x2000x16xf32, #tpu.memory_space<vmem>>, %arg4: memref<2000x16xf32, #tpu.memory_space<vmem>>, %arg5: memref<2000x16xf32, #tpu.memory_space<vmem>>) attributes {dimension_semantics = [#tpu.dimension_semantics<arbitrary>], iteration_bounds = array<i64: 25>, scalar_prefetch = 0 : i64, scratch_operands = 0 : i64, tpu.core_type = #tpu.core_type<tc>, window_params = [{transform_indices = @transform_0, window_bounds = array<i64: 2000, 16>}, {transform_indices = @transform_1, window_bounds = array<i64: 1, 2000, 16>}, {transform_indices = @transform_2, window_bounds = array<i64: 1, 2000, 16>}, {transform_indices = @transform_3, window_bounds = array<i64: 2000, 16>}, {transform_indices = @transform_4, window_bounds = array<i64: 2000, 16>}]} {
    %get3A = arith.constant 0 : index
    %get3A_0 = arith.constant 0 : index
    %get3A_1 = arith.constant 0 : index
    %get3A_2 = vector.load %arg2[%get3A, %get3A_0, %get3A_1] : memref<1x2000x16xf32, #tpu.memory_space<vmem>>, vector<1x2000x16xf32>
    %get3A_3 = vector.shape_cast %get3A_2 : vector<1x2000x16xf32> to vector<2000x16xf32>
    %get3A_4 = arith.constant 0 : index
    %get3A_5 = arith.constant 0 : index
    %get3A_6 = arith.constant 0 : index
    %get3A_7 = vector.load %arg3[%get3A_4, %get3A_5, %get3A_6] : memref<1x2000x16xf32, #tpu.memory_space<vmem>>, vector<1x2000x16xf32>
    %get3A_8 = vector.shape_cast %get3A_7 : vector<1x2000x16xf32> to vector<2000x16xf32>
    %add3A = arith.addf %get3A_3, %get3A_8 : vector<2000x16xf32>
    %add3A_9 = arith.constant 1.000000e+00 : f32
    %add3A_10 = vector.broadcast %add3A_9 : f32 to vector<2000x16xf32>
    %add3A_11 = arith.addf %add3A, %add3A_10 : vector<2000x16xf32>
    %rsqrt3A = math.rsqrt %add3A_11 : vector<2000x16xf32>
    %get3A_12 = arith.constant 0 : index
    %get3A_13 = arith.constant 0 : index
    %get3A_14 = vector.load %arg1[%get3A_12, %get3A_13] : memref<2000x16xf32, #tpu.memory_space<vmem>>, vector<2000x16xf32>
    %mul3A = arith.mulf %get3A_14, %rsqrt3A : vector<2000x16xf32>
    %swap3A = arith.constant 0 : index
    %swap3A_15 = arith.constant 0 : index
    %swap3A_16 = vector.load %arg4[%swap3A, %swap3A_15] : memref<2000x16xf32, #tpu.memory_space<vmem>>, vector<2000x16xf32>
    tpu.vector_store %arg4[%swap3A, %swap3A_15], %mul3A {strides = array<i32>} : memref<2000x16xf32, #tpu.memory_space<vmem>>, vector<2000x16xf32>,
    %swap3A_17 = arith.constant 0 : index
    %swap3A_18 = arith.constant 0 : index
    %swap3A_19 = vector.load %arg5[%swap3A_17, %swap3A_18] : memref<2000x16xf32, #tpu.memory_space<vmem>>, vector<2000x16xf32>
    tpu.vector_store %arg5[%swap3A_17, %swap3A_18], %rsqrt3A {strides = array<i32>} : memref<2000x16xf32, #tpu.memory_space<vmem>>, vector<2000x16xf32>,
    return
  }
  func.func @transform_0(%arg0: i32) -> (i32, i32) {
    %c0_i32 = arith.constant 0 : i32
    %c0_i32_0 = arith.constant 0 : i32
    return %arg0, %c0_i32 : i32, i32
  }
  func.func @transform_1(%arg0: i32) -> (i32, i32, i32) {
    %c0_i32 = arith.constant 0 : i32
    %c0_i32_0 = arith.constant 0 : i32
    %c0_i32_1 = arith.constant 0 : i32
    return %c0_i32, %arg0, %c0_i32_0 : i32, i32, i32
  }
  func.func @transform_2(%arg0: i32) -> (i32, i32, i32) {
    %c1_i32 = arith.constant 1 : i32
    %c0_i32 = arith.constant 0 : i32
    %c0_i32_0 = arith.constant 0 : i32
    return %c1_i32, %arg0, %c0_i32 : i32, i32, i32
  }
  func.func @transform_3(%arg0: i32) -> (i32, i32) {
    %c0_i32 = arith.constant 0 : i32
    %c0_i32_0 = arith.constant 0 : i32
    return %arg0, %c0_i32 : i32, i32
  }
  func.func @transform_4(%arg0: i32) -> (i32, i32) {
    %c0_i32 = arith.constant 0 : i32
    %c0_i32_0 = arith.constant 0 : i32
    return %arg0, %c0_i32 : i32, i32
  }
}

module attributes {stable_mosaic.version = 14 : i64} {
  func.func @_mid_body(%arg0: i32, %arg1: memref<1x2000x16xf32, #tpu.memory_space<vmem>>, %arg2: memref<1x2000x16xf32, #tpu.memory_space<vmem>>, %arg3: memref<2000x16xf32, #tpu.memory_space<vmem>>, %arg4: memref<2000x16xf32, #tpu.memory_space<vmem>>, %arg5: memref<1x16xf32, #tpu.memory_space<vmem>>, %arg6: memref<2000x16xf32, #tpu.memory_space<vmem>>) attributes {dimension_semantics = [#tpu.dimension_semantics<arbitrary>], iteration_bounds = array<i64: 25>, scalar_prefetch = 0 : i64, scratch_operands = 0 : i64, tpu.core_type = #tpu.core_type<tc>, window_params = [{transform_indices = @transform_0, window_bounds = array<i64: 1, 2000, 16>}, {transform_indices = @transform_1, window_bounds = array<i64: 1, 2000, 16>}, {transform_indices = @transform_2, window_bounds = array<i64: 2000, 16>}, {transform_indices = @transform_3, window_bounds = array<i64: 2000, 16>}, {pipeline_mode = #tpu.pipeline_mode<synchronous>, transform_indices = @transform_4, window_bounds = array<i64: 1, 16>}, {transform_indices = @transform_5, window_bounds = array<i64: 2000, 16>}]} {
    %get3A = arith.constant 0 : index
    %get3A_0 = arith.constant 0 : index
    %get3A_1 = vector.load %arg4[%get3A, %get3A_0] : memref<2000x16xf32, #tpu.memory_space<vmem>>, vector<2000x16xf32>
    %get3A_2 = arith.constant 0 : index
    %get3A_3 = arith.constant 0 : index
    %get3A_4 = arith.constant 0 : index
    %get3A_5 = vector.load %arg1[%get3A_2, %get3A_3, %get3A_4] : memref<1x2000x16xf32, #tpu.memory_space<vmem>>, vector<1x2000x16xf32>
    %get3A_6 = vector.shape_cast %get3A_5 : vector<1x2000x16xf32> to vector<2000x16xf32>
    %get3A_7 = arith.constant 0 : index
    %get3A_8 = arith.constant 0 : index
    %get3A_9 = arith.constant 0 : index
    %get3A_10 = vector.load %arg2[%get3A_7, %get3A_8, %get3A_9] : memref<1x2000x16xf32, #tpu.memory_space<vmem>>, vector<1x2000x16xf32>
    %get3A_11 = vector.shape_cast %get3A_10 : vector<1x2000x16xf32> to vector<2000x16xf32>
    %add3A = arith.addf %get3A_6, %get3A_11 : vector<2000x16xf32>
    %get3A_12 = arith.constant 0 : index
    %get3A_13 = arith.constant 0 : index
    %get3A_14 = vector.load %arg3[%get3A_12, %get3A_13] : memref<2000x16xf32, #tpu.memory_space<vmem>>, vector<2000x16xf32>
    %add3A_15 = arith.addf %add3A, %get3A_14 : vector<2000x16xf32>
    %mul3A = arith.mulf %add3A_15, %get3A_1 : vector<2000x16xf32>
    %get3A_16 = arith.constant 0 : index
    %get3A_17 = arith.constant 0 : index
    %get3A_18 = vector.load %arg5[%get3A_16, %get3A_17] : memref<1x16xf32, #tpu.memory_space<vmem>>, vector<1x16xf32>
    %add3A_19 = vector.broadcast %get3A_18 : vector<1x16xf32> to vector<2000x16xf32>
    %add3A_20 = arith.addf %mul3A, %add3A_19 : vector<2000x16xf32>
    %max3A = arith.constant 0.000000e+00 : f32
    %max3A_21 = vector.broadcast %max3A : f32 to vector<2000x16xf32>
    %max3A_22 = arith.maximumf %add3A_20, %max3A_21 : vector<2000x16xf32>
    %mul3A_23 = arith.mulf %max3A_22, %get3A_1 : vector<2000x16xf32>
    %swap3A = arith.constant 0 : index
    %swap3A_24 = arith.constant 0 : index
    %swap3A_25 = vector.load %arg6[%swap3A, %swap3A_24] : memref<2000x16xf32, #tpu.memory_space<vmem>>, vector<2000x16xf32>
    tpu.vector_store %arg6[%swap3A, %swap3A_24], %mul3A_23 {strides = array<i32>} : memref<2000x16xf32, #tpu.memory_space<vmem>>, vector<2000x16xf32>,
    return
  }
  func.func @transform_0(%arg0: i32) -> (i32, i32, i32) {
    %c0_i32 = arith.constant 0 : i32
    %c0_i32_0 = arith.constant 0 : i32
    %c0_i32_1 = arith.constant 0 : i32
    return %c0_i32, %arg0, %c0_i32_0 : i32, i32, i32
  }
  func.func @transform_1(%arg0: i32) -> (i32, i32, i32) {
    %c1_i32 = arith.constant 1 : i32
    %c0_i32 = arith.constant 0 : i32
    %c0_i32_0 = arith.constant 0 : i32
    return %c1_i32, %arg0, %c0_i32 : i32, i32, i32
  }
  func.func @transform_2(%arg0: i32) -> (i32, i32) {
    %c0_i32 = arith.constant 0 : i32
    %c0_i32_0 = arith.constant 0 : i32
    return %arg0, %c0_i32 : i32, i32
  }
  func.func @transform_3(%arg0: i32) -> (i32, i32) {
    %c0_i32 = arith.constant 0 : i32
    %c0_i32_0 = arith.constant 0 : i32
    return %arg0, %c0_i32 : i32, i32
  }
  func.func @transform_4(%arg0: i32) -> (i32, i32) {
    %c0_i32 = arith.constant 0 : i32
    %c0_i32_0 = arith.constant 0 : i32
    %c0_i32_1 = arith.constant 0 : i32
    return %c0_i32, %c0_i32_0 : i32, i32
  }
  func.func @transform_5(%arg0: i32) -> (i32, i32) {
    %c0_i32 = arith.constant 0 : i32
    %c0_i32_0 = arith.constant 0 : i32
    return %arg0, %c0_i32 : i32, i32
  }
}

module attributes {stable_mosaic.version = 14 : i64} {
  func.func @_fin_body(%arg0: i32, %arg1: memref<1x2048x16xf32, #tpu.memory_space<vmem>>, %arg2: memref<1x2048x16xf32, #tpu.memory_space<vmem>>, %arg3: memref<2048x16xf32, #tpu.memory_space<vmem>>, %arg4: memref<2048x16xf32, #tpu.memory_space<vmem>>, %arg5: memref<16x128xf32, #tpu.memory_space<vmem>>, %arg6: memref<128x1xf32, #tpu.memory_space<vmem>>, %arg7: memref<5x2048xf32, #tpu.memory_space<vmem>>) attributes {dimension_semantics = [#tpu.dimension_semantics<arbitrary>], iteration_bounds = array<i64: 25>, scalar_prefetch = 0 : i64, scratch_operands = 0 : i64, tpu.core_type = #tpu.core_type<tc>, window_params = [{transform_indices = @transform_0, window_bounds = array<i64: 1, 2048, 16>}, {transform_indices = @transform_1, window_bounds = array<i64: 1, 2048, 16>}, {transform_indices = @transform_2, window_bounds = array<i64: 2048, 16>}, {transform_indices = @transform_3, window_bounds = array<i64: 2048, 16>}, {pipeline_mode = #tpu.pipeline_mode<synchronous>, transform_indices = @transform_4, window_bounds = array<i64: 16, 128>}, {pipeline_mode = #tpu.pipeline_mode<synchronous>, transform_indices = @transform_5, window_bounds = array<i64: 128, 1>}, {transform_indices = @transform_6, window_bounds = array<i64: 5, 2048>}]} {
    %get3A = arith.constant 0 : index
    %get3A_0 = arith.constant 0 : index
    %get3A_1 = arith.constant 0 : index
    %get3A_2 = vector.load %arg1[%get3A, %get3A_0, %get3A_1] : memref<1x2048x16xf32, #tpu.memory_space<vmem>>, vector<1x2048x16xf32>
    %get3A_3 = vector.shape_cast %get3A_2 : vector<1x2048x16xf32> to vector<2048x16xf32>
    %get3A_4 = arith.constant 0 : index
    %get3A_5 = arith.constant 0 : index
    %get3A_6 = arith.constant 0 : index
    %get3A_7 = vector.load %arg2[%get3A_4, %get3A_5, %get3A_6] : memref<1x2048x16xf32, #tpu.memory_space<vmem>>, vector<1x2048x16xf32>
    %get3A_8 = vector.shape_cast %get3A_7 : vector<1x2048x16xf32> to vector<2048x16xf32>
    %add3A = arith.addf %get3A_3, %get3A_8 : vector<2048x16xf32>
    %get3A_9 = arith.constant 0 : index
    %get3A_10 = arith.constant 0 : index
    %get3A_11 = vector.load %arg3[%get3A_9, %get3A_10] : memref<2048x16xf32, #tpu.memory_space<vmem>>, vector<2048x16xf32>
    %add3A_12 = arith.addf %add3A, %get3A_11 : vector<2048x16xf32>
    %get3A_13 = arith.constant 0 : index
    %get3A_14 = arith.constant 0 : index
    %get3A_15 = vector.load %arg4[%get3A_13, %get3A_14] : memref<2048x16xf32, #tpu.memory_space<vmem>>, vector<2048x16xf32>
    %mul3A = arith.mulf %add3A_12, %get3A_15 : vector<2048x16xf32>
    %get3A_16 = arith.constant 0 : index
    %get3A_17 = arith.constant 0 : index
    %get3A_18 = vector.load %arg5[%get3A_16, %get3A_17] : memref<16x128xf32, #tpu.memory_space<vmem>>, vector<16x128xf32>
    %dot_general3A = arith.constant dense<0.000000e+00> : vector<128x2048xf32>
    %dot_general3A_19 = tpu.matmul %get3A_18, %mul3A, %dot_general3A {dimension_numbers = #tpu.dot_dimension_numbers<[0], [1], [1], [0], [0, 1, 1, 0], [], []>, transpose_lhs_hint = false} : vector<16x128xf32>, vector<2048x16xf32>, vector<128x2048xf32> -> vector<128x2048xf32>
    %get3A_20 = arith.constant 0 : index
    %get3A_21 = arith.constant 0 : index
    %get3A_22 = vector.load %arg6[%get3A_20, %get3A_21] : memref<128x1xf32, #tpu.memory_space<vmem>>, vector<128x1xf32>
    %add3A_23 = vector.broadcast %get3A_22 : vector<128x1xf32> to vector<128x2048xf32>
    %add3A_24 = arith.addf %dot_general3A_19, %add3A_23 : vector<128x2048xf32>
    %iota3A = tpu.iota {dimensions = array<i32: 0>} : vector<128x2048xi32>
    %lt3A = arith.constant 5 : i32
    %lt3A_25 = vector.broadcast %lt3A : i32 to vector<128x2048xi32>
    %lt3A_26 = arith.cmpi slt, %iota3A, %lt3A_25 : vector<128x2048xi32>
    %jit3A = arith.constant -1.000000e+30 : f32
    %broadcast_in_dim3A = vector.broadcast %jit3A : f32 to vector<128x2048xf32>
    %select_n3A = arith.select %lt3A_26, %add3A_24, %broadcast_in_dim3A : vector<128x2048xi1>, vector<128x2048xf32>
    %reduce_max3A = arith.constant dense<0xFF800000> : vector<2048xf32>
    %reduce_max3A_27 = vector.multi_reduction <maximumf>, %select_n3A, %reduce_max3A [0] : vector<128x2048xf32> to vector<2048xf32>
    %broadcast_in_dim3A_28 = vector.shape_cast %reduce_max3A_27 : vector<2048xf32> to vector<1x2048xf32>
    %sub3A = vector.broadcast %broadcast_in_dim3A_28 : vector<1x2048xf32> to vector<128x2048xf32>
    %sub3A_29 = arith.subf %select_n3A, %sub3A : vector<128x2048xf32>
    %exp3A = math.exp %sub3A_29 : vector<128x2048xf32>
    %jit3A_30 = arith.constant 0.000000e+00 : f32
    %broadcast_in_dim3A_31 = vector.broadcast %jit3A_30 : f32 to vector<128x2048xf32>
    %select_n3A_32 = arith.select %lt3A_26, %exp3A, %broadcast_in_dim3A_31 : vector<128x2048xi1>, vector<128x2048xf32>
    %reduce_sum3A = arith.constant dense<0.000000e+00> : vector<2048xf32>
    %reduce_sum3A_33 = vector.multi_reduction <add>, %select_n3A_32, %reduce_sum3A [0] : vector<128x2048xf32> to vector<2048xf32>
    %broadcast_in_dim3A_34 = vector.shape_cast %reduce_sum3A_33 : vector<2048xf32> to vector<1x2048xf32>
    %log3A = math.log %broadcast_in_dim3A_34 : vector<1x2048xf32>
    %sub3A_35 = vector.broadcast %broadcast_in_dim3A_28 : vector<1x2048xf32> to vector<128x2048xf32>
    %sub3A_36 = arith.subf %select_n3A, %sub3A_35 : vector<128x2048xf32>
    %sub3A_37 = vector.broadcast %log3A : vector<1x2048xf32> to vector<128x2048xf32>
    %sub3A_38 = arith.subf %sub3A_36, %sub3A_37 : vector<128x2048xf32>
    %slice3A = vector.extract_strided_slice %sub3A_38 {offsets = [0, 0], sizes = [5, 2048], strides = [1, 1]} : vector<128x2048xf32> to vector<5x2048xf32>
    %swap3A = arith.constant 0 : index
    %swap3A_39 = arith.constant 0 : index
    %swap3A_40 = vector.load %arg7[%swap3A, %swap3A_39] : memref<5x2048xf32, #tpu.memory_space<vmem>>, vector<5x2048xf32>
    tpu.vector_store %arg7[%swap3A, %swap3A_39], %slice3A {strides = array<i32>} : memref<5x2048xf32, #tpu.memory_space<vmem>>, vector<5x2048xf32>,
    return
  }
  func.func @transform_0(%arg0: i32) -> (i32, i32, i32) {
    %c0_i32 = arith.constant 0 : i32
    %c0_i32_0 = arith.constant 0 : i32
    %c0_i32_1 = arith.constant 0 : i32
    return %c0_i32, %arg0, %c0_i32_0 : i32, i32, i32
  }
  func.func @transform_1(%arg0: i32) -> (i32, i32, i32) {
    %c1_i32 = arith.constant 1 : i32
    %c0_i32 = arith.constant 0 : i32
    %c0_i32_0 = arith.constant 0 : i32
    return %c1_i32, %arg0, %c0_i32 : i32, i32, i32
  }
  func.func @transform_2(%arg0: i32) -> (i32, i32) {
    %c0_i32 = arith.constant 0 : i32
    %c0_i32_0 = arith.constant 0 : i32
    return %arg0, %c0_i32 : i32, i32
  }
  func.func @transform_3(%arg0: i32) -> (i32, i32) {
    %c0_i32 = arith.constant 0 : i32
    %c0_i32_0 = arith.constant 0 : i32
    return %arg0, %c0_i32 : i32, i32
  }
  func.func @transform_4(%arg0: i32) -> (i32, i32) {
    %c0_i32 = arith.constant 0 : i32
    %c0_i32_0 = arith.constant 0 : i32
    %c0_i32_1 = arith.constant 0 : i32
    return %c0_i32, %c0_i32_0 : i32, i32
  }
  func.func @transform_5(%arg0: i32) -> (i32, i32) {
    %c0_i32 = arith.constant 0 : i32
    %c0_i32_0 = arith.constant 0 : i32
    %c0_i32_1 = arith.constant 0 : i32
    return %c0_i32, %c0_i32_0 : i32, i32
  }
  func.func @transform_6(%arg0: i32) -> (i32, i32) {
    %c0_i32 = arith.constant 0 : i32
    %c0_i32_0 = arith.constant 0 : i32
    return %c0_i32, %arg0 : i32, i32
  }
}

</mosaic_0001>

<sc_bundles>
// kernel: kernel.12.cloned.1.call-start
scs
__scs_entry_jumppad:
0x0: {  	(pc) =	sbr.rel $0x88, $3  }
0x1: {  	(tag) =	ssettag $0x0;
	lr =	simm.s32 $0x1  }
0x2: {  	[smem:$0x3F9B] =	sst lr;
	_ =	strace $0xD0000000  }
0x3: {  	_ = 	snop  }
0x4: {  	_ = 	snop  }
0x5: {  	_ = 	snop  }
0x6: {  	_ = 	snop  }
0x7: {  	_ = 	snop  }
__scs_overlays_trampoline_lowered:
0x8: {  	[smem:$0x3FAA] =	sst s0  }
0x9: {  	[smem:$0x3FAB] =	sst s1  }
0xa: {  	[smem:$0x3FAC] =	sst s2  }
0xb: {  	[smem:$0x3FAD] =	sst s3  }
0xc: {  	[smem:$0x3FAE] =	sst s4  }
0xd: {  	[smem:$0x3FAF] =	sst s5  }
0xe: {  	[smem:$0x3FB0] =	sst s6  }
0xf: {  	[smem:$0x3FB1] =	sst s7  }
0x10: {  	[smem:$0x3FB2] =	sst s8  }
0x11: {  	[smem:$0x3FB3] =	sst s9;
	s0 =	simm.s32 @!p0 $0x0  }
0x12: {  	s1 =	sld [smem:$0x3F99];
	s0 =	simm.s32 @p0 $0x1  }
0x13: {  	[smem:$0x3FB4] =	sst s0;
	s0 =	simm.s32 @!p1 $0x0  }
0x14: {  	s2 =	sld [smem:$0x3F98];
	s0 =	simm.s32 @p1 $0x1  }
0x15: {  	[smem:$0x3FB5] =	sst s0;
	s0 =	simm.s32 @!p2 $0x0  }
0x16: {  	s3 =	sld [smem:$0x3FDB];
	s0 =	simm.s32 @p2 $0x1  }
0x17: {  	s4 =	simm.s32 $0x1BF5;
	[smem:$0x3FB7] =	sst s0  }
0x18: {  	s0 =	sld [smem:$0x3F9A];
	_ =	swait.ge [sflag:s4], $0x0  }
0x19: {  	s7 =	sld [smem:$0x3F9B]  }
0x1a: {  	s8 =	sadd.s32 $0xFFFFE003, lr  }
0x1b: {  	s9 =	sadd.s32 $0xFFFFFEF7, lr;
	s5 =	simm.s32 $0xFFFFFFFF;
	p2 =	slt.u32 s8, $0xFFFFF086  }
0x1c: {  	p1 =	slt.u32 s9, $0xF7A;
	s5 =	simm.s32 @!p2 $0x0  }
0x1d: {  	s5 =	simm.s32 @p1 $0x1;
	p0 =	seq.s32 s7, s2  }
0x1e: {  	s7 =	smul.u32 @!p0 $0xF7A, s2;
	p2 =	seq.s32 @!p0 s5, $0x0  }
0x1f: {  	s9 =	smul.u32 $0xF7A, s1;
	s8 =	simm.s32 @!p0 $0x1BF5;
	p2 =	por !p2, p0  }
0x20: {  	[sflag:s8] =	ssyncset.s32 @!p0 $0xFFFFF086;
	s6 =	sadd.s32 @!p0 s3, s7;
	s7 =	simm.s32 @!p0 $0x108  }
0x21: {  	s3 =	sadd.s32 s3, s9;
	s6 =	sadd.s32 @!p0 $0x88, s6;
	s7 =	simm.s32 @p2 $0x1082  }
0x22: {  	[simem:s7], [sflag:s8] =	dma.local @!p0 [hbm:s6], $0xF7A  }
0x23: {  	s9 =	sor.u32 $0xD0000000, s2;
	s6 =	simm.s32 $0x108;
	_ =	swait.ge @!p0 [sflag:s8], $0x0  }
0x24: {  	s3 =	sadd.s32 $0x88, s3;
	s6 =	simm.s32 @!p1 $0x1082;
	[sflag:s4] =	ssyncset.s32 $0xFFFFF086  }
0x25: {  	[simem:s6], [sflag:s4] =	dma.local [hbm:s3], $0xF7A  }
0x26: {  	[smem:$0x3F9B] =	sst s1;
	(tag) =	ssettag s2;
	_ =	strace s9  }
0x27: {  	s1 =	sld [smem:$0x3FAB]  }
0x28: {  	s2 =	sld [smem:$0x3FAC]  }
0x29: {  	s4 =	sld [smem:$0x3FAE]  }
0x2a: {  	p0 =	seq.s32 s5, $0x0;
	s5 =	sld [smem:$0x3FAF]  }
0x2b: {  	s6 =	sld [smem:$0x3FB0]  }
0x2c: {  	s7 =	sld [smem:$0x3FB1]  }
0x2d: {  	s3 =	simm.s32 $0x108;
	s8 =	sld [smem:$0x3FB2]  }
0x2e: {  	s3 =	simm.s32 @!p0 $0x1082;
	s9 =	sld [smem:$0x3FB3]  }
0x2f: {  	lr =	sadd.s32 s0, s3;
	s0 =	sld [smem:$0x3FAA]  }
0x30: {  	s3 =	sld [smem:$0x3FAD]  }
0x31: {  	[smem:$0x3FB6] =	sst s10  }
0x32: {  	s10 =	sld [smem:$0x3FB4];
	_ =	sdelay $0x3  }
0x33: {  	p0 =	seq.s32 s10, $0x1;
	s10 =	sld [smem:$0x3FB6];
	_ =	sdelay $0x3  }
0x34: {  	[smem:$0x3FB6] =	sst s10  }
0x35: {  	s10 =	sld [smem:$0x3FB5];
	_ =	sdelay $0x3  }
0x36: {  	p1 =	seq.s32 s10, $0x1;
	s10 =	sld [smem:$0x3FB6];
	_ =	sdelay $0x3  }
0x37: {  	[smem:$0x3FB6] =	sst s10  }
0x38: {  	s10 =	sld [smem:$0x3FB7]  }
0x39: {  	_ = 	snop;
	(pc) =	sbr.ind lr, $3  }
0x3a: {  	_ = 	snop  }
0x3b: {  	_ = 	snop  }
0x3c: {  	p2 =	seq.s32 s10, $0x1;
	s10 =	sld [smem:$0x3FB6]  }
0x3d: {  	_ =	shalt  }
0x3e: {  	_ =	shalt  }
0x3f: {  	_ =	shalt  }
0x40: {  	_ =	shalt  }
0x41: {  	_ =	shalt  }
0x42: {  	_ =	shalt  }
0x43: {  	_ =	shalt  }
0x44: {  	_ =	shalt  }
0x45: {  	_ =	shalt  }
0x46: {  	_ =	shalt  }
0x47: {  	_ =	shalt  }
0x48: {  	_ =	shalt  }
0x49: {  	_ =	shalt  }
0x4a: {  	_ =	shalt  }
0x4b: {  	_ =	shalt  }
0x4c: {  	_ =	shalt  }
0x4d: {  	_ =	shalt  }
0x4e: {  	_ =	shalt  }
0x4f: {  	_ =	shalt  }
0x50: {  	_ =	shalt  }
0x51: {  	_ =	shalt  }
0x52: {  	_ =	shalt  }
0x53: {  	_ =	shalt  }
0x54: {  	_ =	shalt  }
0x55: {  	_ =	shalt  }
0x56: {  	_ =	shalt  }
0x57: {  	_ =	shalt  }
0x58: {  	_ =	shalt  }
0x59: {  	_ =	shalt  }
0x5a: {  	_ =	shalt  }
0x5b: {  	_ =	shalt  }
0x5c: {  	_ =	shalt  }
0x5d: {  	_ =	shalt  }
0x5e: {  	_ =	shalt  }
0x5f: {  	_ =	shalt  }
0x60: {  	_ =	shalt  }
0x61: {  	_ =	shalt  }
0x62: {  	_ =	shalt  }
0x63: {  	_ =	shalt  }
0x64: {  	_ =	shalt  }
0x65: {  	_ =	shalt  }
0x66: {  	_ =	shalt  }
0x67: {  	_ =	shalt  }
0x68: {  	_ =	shalt  }
0x69: {  	_ =	shalt  }
0x6a: {  	_ =	shalt  }
0x6b: {  	_ =	shalt  }
0x6c: {  	_ =	shalt  }
0x6d: {  	_ =	shalt  }
0x6e: {  	_ =	shalt  }
0x6f: {  	_ =	shalt  }
0x70: {  	_ =	shalt  }
0x71: {  	_ =	shalt  }
0x72: {  	_ =	shalt  }
0x73: {  	_ =	shalt  }
0x74: {  	_ =	shalt  }
0x75: {  	_ =	shalt  }
0x76: {  	_ =	shalt  }
0x77: {  	_ =	shalt  }
0x78: {  	_ =	shalt  }
0x79: {  	_ =	shalt  }
0x7a: {  	_ =	shalt  }
0x7b: {  	_ =	shalt  }
0x7c: {  	_ =	shalt  }
0x7d: {  	_ =	shalt  }
0x7e: {  	_ =	shalt  }
0x7f: {  	_ =	shalt  }
0x80: {  	_ =	shalt  }
0x81: {  	_ =	shalt  }
0x82: {  	_ =	shalt  }
0x83: {  	_ =	shalt  }
0x84: {  	_ =	shalt  }
0x85: {  	_ =	shalt  }
0x86: {  	_ =	shalt  }
0x87: {  	_ =	shalt  }
.Lfunc_end0:
.L_simem_size_0:
called_computation.1_lowered:
.L_overlay_start_0:
0x88: {  	s2 =	sld [smem:$0x3FD9]  }
0x89: {  	s3 =	sld [smem:$0x3FFE];
	_ =	sdelay $0x1  }
0x8a: {  	s1 =	srdreg.scid  }
0x8b: {  	s0 =	sand.u32 $0x1, s1  }
0x8c: {  	s16 =	sshll.u32 s0, $0xA;
	s2 =	sadd.s32 s3, s2  }
0x8d: {  	s2 =	sadd.s32 s2, s16  }
0x8e: {  	[smem:$0x3FC2] =	sst s2  }
0x8f: {  	_ = 	snop  }
0x90: {  	(tm) =	ssettm $0x1  }
0x91: {  	s17 =	sld [smem:$0x3FFB];
	_ =	sdelay $0x3  }
0x92: {  	_ =	strace s17  }
0x93: {  	s2 =	sld [smem:$0x3FFC];
	_ =	sdelay $0x3  }
0x94: {  	_ =	strace s2  }
0x95: {  	s2 =	sld [smem:$0x3FFD];
	_ =	sdelay $0x3  }
0x96: {  	_ =	strace s2  }
0x97: {  	_ =	strace $0x8FFFFFFF  }
0x98: {  	s18 =	sld [smem:$0x3FDB];
	_ =	sdelay $0x1  }
0x99: {  	s19 =	simm.s32 $_scs_section_size  }
0x9a: {  	s4 =	simm.s32 $_size__tile_overlayer_lowered;
	s5 =	simm.s32 $_tile_overlayer_lowered  }
0x9b: {  	s22 =	simm.s32 $0x1BFF;
	s21 =	sshll.u32 s5, $0x1;
	s2 =	sadd.s32 s19, s18  }
0x9c: {  	s6 =	simm.s32 $0x0;
	s20 =	sshll.u32 s4, $0x1;
	s4 =	sadd.s32 s21, s2  }
0x9d: {  	[timem:s6], [sflag:s22] =	dma.local [hbm:s4], s20  }
0x9e: {  	_ =	swait.ge [sflag:s22], s20  }
0x9f: {  	s3 =	ssub.s32 $0x0, s20;
	[sflag:s22] =	ssyncset.done $0x0  }
0xa0: {  	[sflag:s22] =	ssyncadd.s32 s3;
	_ =	sdelay $0x1  }
0xa1: {  	s23 =	simm.s32 $0x1B8B  }
0xa2: {  	_ =	swait.ge [sflag:s23], $0x1  }
0xa3: {  	[sflag:s23] =	ssyncset.done $0x0  }
0xa4: {  	s25 =	simm.s32 $0x1B8E;
	s24 =	sld [smem:$0x3FFE];
	[sflag:s23] =	ssyncadd.s32 $0xFFFFFFFF  }
0xa5: {  	s26 =	simm.s32 $execute0_lowered;
	[smem:$0x3FD2] =	sst s25  }
0xa6: {  	s4 =	sshll.u32 s26, $0x1;
	_ =	strace $0x80000049;
	[dreg:$0x1] =	wrdreg $0xFFFFFFFF  }
0xa7: {  	s28 =	simm.s32 $_size_execute0_lowered;
	s2 =	sadd.s32 s2, s4;
	[dreg:$0x0] =	wrdreg $0x0  }
0xa8: {  	s4 =	sshll.u32 s28, $0x1;
	[dreg:$0x2] =	wrdreg s2  }
0xa9: {  	[dreg:$0x3] =	wrdreg s4  }
0xaa: {  	[dreg:$0x4] =	wrdreg $0xC0  }
0xab: {  	_ =	task [dreg:s6], $0x5FFFF  }
0xac: {  	[dreg:$0x1] =	wrdreg $0xFFFFFFFF  }
0xad: {  	[dreg:$0x0] =	wrdreg $0x60  }
0xae: {  	[dreg:$0x2] =	wrdreg s24  }
0xaf: {  	[dreg:$0x3] =	wrdreg $0x119400  }
0xb0: {  	[dreg:$0x4] =	wrdreg $0x9  }
0xb1: {  	_ =	task.clear_ibuf [dreg:s6], $0x5FFFF;
	_ =	strace $0x90000049  }
0xb2: {  	s29 =	simm.s32 $0x9;
	_ =	strace $0x8000004B  }
0xb3: {  	_ =	swait.ge [sflag:s29], $0x1  }
0xb4: {  	[sflag:s29] =	ssyncadd.s32 $0xFFFFFFFF  }
0xb5: {  	_ =	strace $0x9000004B  }
0xb6: {  	_ =	sfence  }
0xb7: {  	s30 =	sld [smem:$0x0];
	_ =	sdelay $0x2  }
0xb8: {  	s31 =	sshll.u32 s1, $0xD;
	s1 =	sshrl.u32 s1, $0x2  }
0xb9: {  	s3 =	sand.u32 $0x4000, s31;
	s1 =	sadd.s32 s1, s30  }
0xba: {  	s0 =	sor.u32 s3, s0;
	s1 =	sshll.u32 s1, $0x11  }
0xbb: {  	s0 =	sor.u32 s1, s0  }
0xbc: {  	s0 =	sadd.s32 $0x8F2B, s0  }
0xbd: {  	[sflag:s0] =	ssyncadd.remote.s32 $0x1  }
0xbe: {  	_ =	sfence.sel $0xFFFF  }
0xbf: {  	[dreg:$0x0] =	wrdreg $0xFFFFFFFF;
	(pc) =	sbr.abs _section_cstart, $3  }
0xc0: {  	[dreg:$0x1] =	wrdreg $0xFFFFFFFF  }
0xc1: {  	_ =	task.clear_ibuf [dreg:s6], $0x2FFFF;
	_ =	strace $0x9FFFFFFF  }
0xc2: {  	(tm) =	ssettm $0x7FFFFFFF  }
0xc3: {  	_ =	shalt  }
tec
execute0_lowered:
.L_overlay_start_1:
0x0: {  	(tag) =	ssettag $0x1  }
0x1: {  	s0 =	rddreg [dreg:$0x0]  }
0x2: {  	s2 =	rddreg [dreg:$0x1]  }
0x3: {  	s3 =	simm.s32 $0x0;
	s13 =	stileid.u32;
	s4 =	srdreg.scid  }
0x4: {  	s21 =	simm.s32 $0x3;
	s28 =	simm.s32 $0x2;
	s29 =	simm.s32 $0x9C40  }
0x5: {  	s30 =	simm.s32 $0x0;
	[smem:$0x7FF] =	sst s3;
	s1 =	smul.u32 $0xC350, s13  }
0x6: {  	s10 =	sand.u32 $0x1, s4;
	s4 =	sadd.s32 $0x7AC00, s0;
	s5 =	sadd.s32 $0x800, s0  }
0x7: {  	s6 =	sadd.s32 $0x31600, s0;
	s11 =	sshll.u32 s13, $0x1;
	s16 =	smul.u32 $0x186A0, s13  }
0x8: {  	s23 =	sshll.u32 s13, $0x6;
	_ =	strace $0x8000004A;
	s8 =	smul.u32 $0xC3500, s10  }
0x9: {  	s9 =	ssub.s32 $0x2, s10;
	s11 =	sor.u32 s10, s11;
	s17 =	smul.u32 $0xC350, s10  }
0xa: {  	s7 =	sshrl.u32 s1, $0x3;
	s12 =	sshrl.u32 s9, $0x1;
	s22 =	smul.u32 $0xC350, s11  }
0xb: {  	s7 =	sadd.s32 s7, s0;
	s8 =	sadd.s32 s1, s8;
	s14 =	ssub.s32 s9, s12  }
0xc: {  	s1 =	sadd.s32 s1, s2;
	s17 =	sadd.s32 s17, s16;
	s8 =	sshrl.u32 s8, $0x3  }
0xd: {  	s7 =	sadd.s32 $0x62400, s7;
	s15 =	sshrl.u32 s22, $0x3;
	s14 =	smax.u32 s14, $0x1  }
0xe: {  	s18 =	sadd.s32 $0x1770, s17;
	s17 =	sadd.s32 $0xFA0, s17;
	s20 =	sshrl.u32 s1, $0x3  }
0xf: {  	s22 =	simm.s32 $0x7D0;
	s0 =	sadd.s32 s8, s0;
	[dreg:$0x3] =	wrdreg s7  }
0x10: {  	s8 =	sor.u32 $0x1C03, s23;
	s24 =	sadd.s32 s5, s15;
	s25 =	sadd.s32 $0xFA, s15  }
0x11: {  	s10 =	sadd.s32 s6, s15;
	s26 =	sadd.s32 $0x1770, s15;
	s31 =	sshrl.u32 s18, $0x3  }
0x12: {  	s23 =	simm.s32 $0xFA0;
	[dreg:$0x4] =	wrdreg s24;
	s11 =	sadd.s32 s5, s25  }
0x13: {  	s12 =	sadd.s32 s6, s25;
	s13 =	sadd.s32 $0x93400, s0;
	s15 =	sadd.s32 s5, s26  }
0x14: {  	s16 =	sadd.s32 s6, s26;
	s18 =	sadd.s32 s31, s6;
	s19 =	sadd.s32 s31, s5  }
0x15: {  	s24 =	simm.s32 $0x1770;
	s25 =	simm.s32 $0x1;
	s26 =	simm.s32 $0x1F40  }
.LBB2_1:
0x16: {  	s0 =	rddreg [dreg:$0x3]  }
0x17: {  	[spmem:s20], [sflag:s8] =	dma.local [hbm:s0], $0x186A  }
0x18: {  	_ =	swait.ge [sflag:s21], $0x186A  }
0x19: {  	[sflag:s21] =	ssyncset.done $0x0  }
0x1a: {  	[sflag:s21] =	ssyncadd.s32 $0xFFFFE796  }
0x1b: {  	[bflag:$0x0] =	sbarrier.arrive $0xFFFF  }
0x1c: {  	s1 =	rddreg [dreg:$0x4]  }
0x1d: {  	[tilespmem:s3], [sflag:$0x1] =	stream.linear.gather [hbm4b:s1+s3], $0x7D0, $0x38;
	[tilespmem:$0x1DC90] =	vst v63  }
0x1e: {  	_ = 	snop  }
0x1f: {  	[tilespmem:s22], [sflag:$0x1] =	stream.linear.gather [hbm4b:s10+s3], $0x7D0, $0x38;
	[tilespmem:$0x1DC90] =	vst v63  }
0x20: {  	_ = 	snop  }
0x21: {  	[tilespmem:s23], [sflag:$0x2] =	stream.linear.gather [hbm4b:s11+s3], $0x7D0, $0x38;
	[tilespmem:$0x1DC90] =	vst v63  }
0x22: {  	_ = 	snop  }
0x23: {  	[tilespmem:s24], [sflag:$0x2] =	stream.linear.gather [hbm4b:s12+s3], $0x7D0, $0x38;
	[tilespmem:$0x1DC90] =	vst v63  }
0x24: {  	_ =	swait.ge [sflag:s25], $0x7D0  }
0x25: {  	[sflag:s25] =	ssyncset.done $0x0  }
0x26: {  	[sflag:s25] =	ssyncadd.s32 $0xFFFFF830  }
0x27: {  	_ =	swait.ge [sflag:s25], $0x7D0  }
0x28: {  	[sflag:s25] =	ssyncset.done $0x0  }
0x29: {  	[sflag:s25] =	ssyncadd.s32 $0xFFFFF830  }
0x2a: {  	[tilespmem:s26], [sflag:$0x1] =	stream.indirect.gather [hbm4b:s4+s22], $0x10, s3, s22, $0xb8;
	[tilespmem:$0x1DC90] =	vst v63  }
0x2b: {  	_ =	swait.ge [sflag:s28], $0x7D0  }
0x2c: {  	[sflag:s28] =	ssyncset.done $0x0  }
0x2d: {  	[sflag:s28] =	ssyncadd.s32 $0xFFFFF830  }
0x2e: {  	_ =	swait.ge [sflag:s28], $0x7D0  }
0x2f: {  	[sflag:s28] =	ssyncset.done $0x0  }
0x30: {  	[sflag:s28] =	ssyncadd.s32 $0xFFFFF830  }
0x31: {  	[tilespmem:s29], [sflag:$0x2] =	stream.indirect.gather [hbm4b:s4+s22], $0x10, s23, s22, $0xb8;
	[tilespmem:$0x1DC90] =	vst v63  }
0x32: {  	_ =	swait.ge [sflag:s25], $0x7D00  }
0x33: {  	[sflag:s25] =	ssyncset.done $0x0  }
0x34: {  	[sflag:s25] =	ssyncadd.s32 $0xFFFF8300  }
0x35: {  	[spmem:s2] =	stream.indirect.scatter.add.f32 [tilespmem:s26], [sflag:$0x3], $0x10, s22, s22, $0xb8;
	[tilespmem:$0x1DC90] =	vst v63  }
0x36: {  	_ =	swait.ge [sflag:s21], $0x7D00  }
0x37: {  	s7 =	sshrl.u32 s17, $0x3;
	[sflag:s21] =	ssyncset.done $0x0  }
0x38: {  	s1 =	sadd.s32 s5, s7;
	[sflag:s21] =	ssyncadd.s32 $0xFFFF8300  }
0x39: {  	[tilespmem:s3], [sflag:$0x1] =	stream.linear.gather [hbm4b:s1+s3], $0x7D0, $0x38;
	[tilespmem:$0x1DC90] =	vst v63  }
0x3a: {  	s0 =	sadd.s32 s6, s7  }
0x3b: {  	[tilespmem:s22], [sflag:$0x1] =	stream.linear.gather [hbm4b:s0+s3], $0x7D0, $0x38;
	[tilespmem:$0x1DC90] =	vst v63  }
0x3c: {  	_ =	swait.ge [sflag:s25], $0x7D0  }
0x3d: {  	[sflag:s25] =	ssyncset.done $0x0  }
0x3e: {  	[sflag:s25] =	ssyncadd.s32 $0xFFFFF830  }
0x3f: {  	_ =	swait.ge [sflag:s25], $0x7D0  }
0x40: {  	[sflag:s25] =	ssyncset.done $0x0  }
0x41: {  	[sflag:s25] =	ssyncadd.s32 $0xFFFFF830  }
0x42: {  	[tilespmem:s26], [sflag:$0x1] =	stream.indirect.gather [hbm4b:s4+s22], $0x10, s3, s22, $0xb8;
	[tilespmem:$0x1DC90] =	vst v63  }
0x43: {  	_ =	swait.ge [sflag:s28], $0x7D00  }
0x44: {  	[sflag:s28] =	ssyncset.done $0x0  }
0x45: {  	[sflag:s28] =	ssyncadd.s32 $0xFFFF8300  }
0x46: {  	[spmem:s2] =	stream.indirect.scatter.add.f32 [tilespmem:s29], [sflag:$0x3], $0x10, s24, s22, $0xb8;
	[tilespmem:$0x1DC90] =	vst v63  }
0x47: {  	_ =	swait.ge [sflag:s21], $0x7D00  }
0x48: {  	s9 =	sadd.s32 $0x0, s19;
	s31 =	simm.s32 $0x1F4;
	[sflag:s21] =	ssyncset.done $0x0  }
0x49: {  	s1 =	sadd.s32 $0x0, s18;
	s0 =	sadd.s32 $0xFA0, s17;
	[sflag:s21] =	ssyncadd.s32 $0xFFFF8300  }
0x4a: {  	[tilespmem:s23], [sflag:$0x2] =	stream.linear.gather [hbm4b:s9+s3], $0x7D0, $0x38;
	[tilespmem:$0x1DC90] =	vst v63  }
.LBB2_2:
0x4b: {  	[tilespmem:s24], [sflag:$0x2] =	stream.linear.gather [hbm4b:s1+s3], $0x7D0, $0x38;
	[tilespmem:$0x1DC90] =	vst v63  }
0x4c: {  	s1 =	smov.u32 s31  }
0x4d: {  	p0 =	sne.s32 s31, $0x1388;
	s31 =	sadd.s32 $0x1F4, s31;
	_ =	swait.ge [sflag:s28], $0x7D0  }
0x4e: {  	[sflag:s28] =	ssyncset.done $0x0  }
0x4f: {  	[sflag:s28] =	ssyncadd.s32 $0xFFFFF830  }
0x50: {  	_ =	swait.ge [sflag:s28], $0x7D0  }
0x51: {  	[sflag:s28] =	ssyncset.done $0x0  }
0x52: {  	[sflag:s28] =	ssyncadd.s32 $0xFFFFF830  }
0x53: {  	[tilespmem:s29], [sflag:$0x2] =	stream.indirect.gather [hbm4b:s4+s22], $0x10, s23, s22, $0xb8;
	[tilespmem:$0x1DC90] =	vst v63  }
0x54: {  	_ =	swait.ge [sflag:s25], $0x7D00  }
0x55: {  	[sflag:s25] =	ssyncset.done $0x0  }
0x56: {  	[sflag:s25] =	ssyncadd.s32 $0xFFFF8300  }
0x57: {  	[spmem:s2] =	stream.indirect.scatter.add.f32 [tilespmem:s26], [sflag:$0x3], $0x10, s22, s22, $0xb8;
	[tilespmem:$0x1DC90] =	vst v63  }
0x58: {  	_ =	swait.ge [sflag:s21], $0x7D00  }
0x59: {  	s7 =	sshrl.u32 s0, $0x3;
	[sflag:s21] =	ssyncset.done $0x0  }
0x5a: {  	s9 =	sadd.s32 s5, s7;
	[sflag:s21] =	ssyncadd.s32 $0xFFFF8300  }
0x5b: {  	[tilespmem:s3], [sflag:$0x1] =	stream.linear.gather [hbm4b:s9+s3], $0x7D0, $0x38;
	[tilespmem:$0x1DC90] =	vst v63  }
0x5c: {  	s7 =	sadd.s32 s6, s7  }
0x5d: {  	[tilespmem:s22], [sflag:$0x1] =	stream.linear.gather [hbm4b:s7+s3], $0x7D0, $0x38;
	[tilespmem:$0x1DC90] =	vst v63  }
0x5e: {  	_ =	swait.ge [sflag:s25], $0x7D0  }
0x5f: {  	[sflag:s25] =	ssyncset.done $0x0  }
0x60: {  	[sflag:s25] =	ssyncadd.s32 $0xFFFFF830  }
0x61: {  	_ =	swait.ge [sflag:s25], $0x7D0  }
0x62: {  	[sflag:s25] =	ssyncset.done $0x0  }
0x63: {  	[sflag:s25] =	ssyncadd.s32 $0xFFFFF830  }
0x64: {  	[tilespmem:s26], [sflag:$0x1] =	stream.indirect.gather [hbm4b:s4+s22], $0x10, s3, s22, $0xb8;
	[tilespmem:$0x1DC90] =	vst v63  }
0x65: {  	_ =	swait.ge [sflag:s28], $0x7D00  }
0x66: {  	[sflag:s28] =	ssyncset.done $0x0  }
0x67: {  	[sflag:s28] =	ssyncadd.s32 $0xFFFF8300  }
0x68: {  	[spmem:s2] =	stream.indirect.scatter.add.f32 [tilespmem:s29], [sflag:$0x3], $0x10, s24, s22, $0xb8;
	[tilespmem:$0x1DC90] =	vst v63  }
.Ltmp0:
0x69: {  	_ =	swait.ge [sflag:s21], $0x7D00;
	(pc) =	sbr.rel @p0 .LBB2_2-.Ltmp0, $4  }
0x6a: {  	[sflag:s21] =	ssyncset.done $0x0  }
0x6b: {  	s7 =	sadd.s32 s1, s19;
	[sflag:s21] =	ssyncadd.s32 $0xFFFF8300  }
0x6c: {  	[tilespmem:s23], [sflag:$0x2] =	stream.linear.gather [hbm4b:s7+s3], $0x7D0, $0x38;
	[tilespmem:$0x1DC90] =	vst v63  }
0x6d: {  	s0 =	sadd.s32 $0xFA0, s0;
	s1 =	sadd.s32 s1, s18  }
0x6e: {  	[tilespmem:s24], [sflag:$0x2] =	stream.linear.gather [hbm4b:s1+s3], $0x7D0, $0x38;
	[tilespmem:$0x1DC90] =	vst v63  }
0x6f: {  	_ =	swait.ge [sflag:s28], $0x7D0  }
0x70: {  	[sflag:s28] =	ssyncset.done $0x0  }
0x71: {  	[sflag:s28] =	ssyncadd.s32 $0xFFFFF830  }
0x72: {  	_ =	swait.ge [sflag:s28], $0x7D0  }
0x73: {  	[sflag:s28] =	ssyncset.done $0x0  }
0x74: {  	[sflag:s28] =	ssyncadd.s32 $0xFFFFF830  }
0x75: {  	[tilespmem:s29], [sflag:$0x2] =	stream.indirect.gather [hbm4b:s4+s22], $0x10, s23, s22, $0xb8;
	[tilespmem:$0x1DC90] =	vst v63  }
0x76: {  	_ =	swait.ge [sflag:s25], $0x7D00  }
0x77: {  	[sflag:s25] =	ssyncset.done $0x0  }
0x78: {  	[sflag:s25] =	ssyncadd.s32 $0xFFFF8300  }
0x79: {  	[spmem:s2] =	stream.indirect.scatter.add.f32 [tilespmem:s26], [sflag:$0x3], $0x10, s22, s22, $0xb8;
	[tilespmem:$0x1DC90] =	vst v63  }
0x7a: {  	_ =	swait.ge [sflag:s21], $0x7D00  }
0x7b: {  	[sflag:s21] =	ssyncset.done $0x0  }
0x7c: {  	[sflag:s21] =	ssyncadd.s32 $0xFFFF8300  }
0x7d: {  	[tilespmem:s3], [sflag:$0x1] =	stream.linear.gather [hbm4b:s15+s3], $0x7D0, $0x38;
	[tilespmem:$0x1DC90] =	vst v63  }
0x7e: {  	_ = 	snop  }
0x7f: {  	[tilespmem:s22], [sflag:$0x1] =	stream.linear.gather [hbm4b:s16+s3], $0x7D0, $0x38;
	[tilespmem:$0x1DC90] =	vst v63  }
0x80: {  	_ =	swait.ge [sflag:s25], $0x7D0  }
0x81: {  	[sflag:s25] =	ssyncset.done $0x0  }
0x82: {  	[sflag:s25] =	ssyncadd.s32 $0xFFFFF830  }
0x83: {  	_ =	swait.ge [sflag:s25], $0x7D0  }
0x84: {  	[sflag:s25] =	ssyncset.done $0x0  }
0x85: {  	[sflag:s25] =	ssyncadd.s32 $0xFFFFF830  }
0x86: {  	[tilespmem:s26], [sflag:$0x1] =	stream.indirect.gather [hbm4b:s4+s22], $0x10, s3, s22, $0xb8;
	[tilespmem:$0x1DC90] =	vst v63  }
0x87: {  	_ =	swait.ge [sflag:s28], $0x7D00  }
0x88: {  	[sflag:s28] =	ssyncset.done $0x0  }
0x89: {  	[sflag:s28] =	ssyncadd.s32 $0xFFFF8300  }
0x8a: {  	[spmem:s2] =	stream.indirect.scatter.add.f32 [tilespmem:s29], [sflag:$0x3], $0x10, s24, s22, $0xb8;
	[tilespmem:$0x1DC90] =	vst v63  }
0x8b: {  	_ =	swait.ge [sflag:s21], $0x7D00  }
0x8c: {  	[sflag:s21] =	ssyncset.done $0x0  }
0x8d: {  	[sflag:s21] =	ssyncadd.s32 $0xFFFF8300  }
0x8e: {  	[tilespmem:s23], [sflag:$0x2] =	stream.linear.gather [hbm4b:s15+s3], $0x7D0, $0x38;
	[tilespmem:$0x1DC90] =	vst v63  }
0x8f: {  	_ = 	snop  }
0x90: {  	[tilespmem:s24], [sflag:$0x2] =	stream.linear.gather [hbm4b:s16+s3], $0x7D0, $0x38;
	[tilespmem:$0x1DC90] =	vst v63  }
0x91: {  	_ =	swait.ge [sflag:s28], $0x7D0  }
0x92: {  	[sflag:s28] =	ssyncset.done $0x0  }
0x93: {  	[sflag:s28] =	ssyncadd.s32 $0xFFFFF830  }
0x94: {  	_ =	swait.ge [sflag:s28], $0x7D0  }
0x95: {  	[sflag:s28] =	ssyncset.done $0x0  }
0x96: {  	[sflag:s28] =	ssyncadd.s32 $0xFFFFF830  }
0x97: {  	_ =	swait.ge [sflag:s25], $0x7D00  }
0x98: {  	[sflag:s25] =	ssyncset.done $0x0  }
0x99: {  	[sflag:s25] =	ssyncadd.s32 $0xFFFF8300  }
0x9a: {  	[spmem:s2] =	stream.indirect.scatter.add.f32 [tilespmem:s26], [sflag:$0x3], $0x10, s22, s22, $0xb8;
	[tilespmem:$0x1DC90] =	vst v63  }
0x9b: {  	_ =	swait.ge [sflag:s21], $0x7D00  }
0x9c: {  	s30 =	sadd.s32 $0x1, s30;
	[sflag:s21] =	ssyncset.done $0x0  }
0x9d: {  	p0 =	sne.s32 s30, s14;
	[sflag:s21] =	ssyncadd.s32 $0xFFFF8300  }
.Ltmp1:
0x9e: {  	[bflag:$0x0] =	sbarrier.arrive $0xFFFF;
	(pc) =	sbr.rel @p0 .LBB2_1-.Ltmp1, $4  }
0x9f: {  	[hbm:s13], [sflag:s8] =	dma.local [spmem:s20], $0x186A  }
0xa0: {  	_ =	swait.ge [sflag:s21], $0x186A  }
0xa1: {  	[sflag:s21] =	ssyncset.done $0x0  }
0xa2: {  	[sflag:s21] =	ssyncadd.s32 $0xFFFFE796  }
0xa3: {  	_ =	sfence.sel $0x180000  }
0xa4: {  	[bflag:$0x0] =	sbarrier.arrive $0xFFFF  }
0xa5: {  	_ =	strace $0x9000004A  }
0xa6: {  	s0 =	stileid.u32;
	[bflag:$0x2] =	sbarrier.arrive $0xFFFF  }
0xa7: {  	p0 =	sne.s32 s0, $0x0;
	s0 =	rddreg [dreg:$0x2]  }
0xa8: {  	s0 =	sadd.s32 @!p0 $0x100000, s0  }
0xa9: {  	[sflag:s0] =	ssyncadd.tile.s32 @!p0 $0x1;
	_ =	shalt  }
.Lfunc_end2:
_tile_overlayer_lowered:
.L_overlay_start_2:
0xaa: {  	(tag) =	ssettag $0x2  }
0xab: {  	s0 =	rddreg [dreg:$0x0];
	s2 =	stileid.u32  }
0xac: {  	s1 =	rddreg [dreg:$0x1];
	p0 =	sne.s32 s2, $0x0  }
0xad: {  	s3 =	rddreg [dreg:$0x2];
	[bflag:$0x3] =	sbarrier.arrive $0xFFFF;
	s2 =	simm.s32 @!p0 $0x1C03  }
0xae: {  	[timem:s3], [sflag:s2] =	dma.local @!p0 [hbm:s0], s1  }
0xaf: {  	s0 =	simm.s32 @!p0 $0x3  }
0xb0: {  	_ =	swait.ge @!p0 [sflag:s0], s1  }
0xb1: {  	s1 =	ssub.s32 @!p0 $0x0, s1;
	[sflag:s0] =	ssyncset.done @!p0 $0x0  }
0xb2: {  	[sflag:s0] =	ssyncadd.s32 @!p0 s1  }
0xb3: {  	[bflag:$0x3] =	sbarrier.arrive $0xFFFF  }
0xb4: {  	_ =	shalt  }

// kernel: kernel.15.cloned.1.call-start
scs
__scs_entry_jumppad:
0x0: {  	(pc) =	sbr.rel $0x88, $3  }
0x1: {  	(tag) =	ssettag $0x0;
	lr =	simm.s32 $0x1  }
0x2: {  	[smem:$0x3F9B] =	sst lr;
	_ =	strace $0xD0000000  }
0x3: {  	_ = 	snop  }
0x4: {  	_ = 	snop  }
0x5: {  	_ = 	snop  }
0x6: {  	_ = 	snop  }
0x7: {  	_ = 	snop  }
__scs_overlays_trampoline_lowered:
0x8: {  	[smem:$0x3FAA] =	sst s0  }
0x9: {  	[smem:$0x3FAB] =	sst s1  }
0xa: {  	[smem:$0x3FAC] =	sst s2  }
0xb: {  	[smem:$0x3FAD] =	sst s3  }
0xc: {  	[smem:$0x3FAE] =	sst s4  }
0xd: {  	[smem:$0x3FAF] =	sst s5  }
0xe: {  	[smem:$0x3FB0] =	sst s6  }
0xf: {  	[smem:$0x3FB1] =	sst s7  }
0x10: {  	[smem:$0x3FB2] =	sst s8  }
0x11: {  	[smem:$0x3FB3] =	sst s9;
	s0 =	simm.s32 @!p0 $0x0  }
0x12: {  	s1 =	sld [smem:$0x3F99];
	s0 =	simm.s32 @p0 $0x1  }
0x13: {  	[smem:$0x3FB4] =	sst s0;
	s0 =	simm.s32 @!p1 $0x0  }
0x14: {  	s2 =	sld [smem:$0x3F98];
	s0 =	simm.s32 @p1 $0x1  }
0x15: {  	[smem:$0x3FB5] =	sst s0;
	s0 =	simm.s32 @!p2 $0x0  }
0x16: {  	s3 =	sld [smem:$0x3FDB];
	s0 =	simm.s32 @p2 $0x1  }
0x17: {  	s4 =	simm.s32 $0x1BF5;
	[smem:$0x3FB7] =	sst s0  }
0x18: {  	s0 =	sld [smem:$0x3F9A];
	_ =	swait.ge [sflag:s4], $0x0  }
0x19: {  	s7 =	sld [smem:$0x3F9B]  }
0x1a: {  	s8 =	sadd.s32 $0xFFFFE003, lr  }
0x1b: {  	s9 =	sadd.s32 $0xFFFFFEF7, lr;
	s5 =	simm.s32 $0xFFFFFFFF;
	p2 =	slt.u32 s8, $0xFFFFF086  }
0x1c: {  	p1 =	slt.u32 s9, $0xF7A;
	s5 =	simm.s32 @!p2 $0x0  }
0x1d: {  	s5 =	simm.s32 @p1 $0x1;
	p0 =	seq.s32 s7, s2  }
0x1e: {  	s7 =	smul.u32 @!p0 $0xF7A, s2;
	p2 =	seq.s32 @!p0 s5, $0x0  }
0x1f: {  	s9 =	smul.u32 $0xF7A, s1;
	s8 =	simm.s32 @!p0 $0x1BF5;
	p2 =	por !p2, p0  }
0x20: {  	[sflag:s8] =	ssyncset.s32 @!p0 $0xFFFFF086;
	s6 =	sadd.s32 @!p0 s3, s7;
	s7 =	simm.s32 @!p0 $0x108  }
0x21: {  	s3 =	sadd.s32 s3, s9;
	s6 =	sadd.s32 @!p0 $0x88, s6;
	s7 =	simm.s32 @p2 $0x1082  }
0x22: {  	[simem:s7], [sflag:s8] =	dma.local @!p0 [hbm:s6], $0xF7A  }
0x23: {  	s9 =	sor.u32 $0xD0000000, s2;
	s6 =	simm.s32 $0x108;
	_ =	swait.ge @!p0 [sflag:s8], $0x0  }
0x24: {  	s3 =	sadd.s32 $0x88, s3;
	s6 =	simm.s32 @!p1 $0x1082;
	[sflag:s4] =	ssyncset.s32 $0xFFFFF086  }
0x25: {  	[simem:s6], [sflag:s4] =	dma.local [hbm:s3], $0xF7A  }
0x26: {  	[smem:$0x3F9B] =	sst s1;
	(tag) =	ssettag s2;
	_ =	strace s9  }
0x27: {  	s1 =	sld [smem:$0x3FAB]  }
0x28: {  	s2 =	sld [smem:$0x3FAC]  }
0x29: {  	s4 =	sld [smem:$0x3FAE]  }
0x2a: {  	p0 =	seq.s32 s5, $0x0;
	s5 =	sld [smem:$0x3FAF]  }
0x2b: {  	s6 =	sld [smem:$0x3FB0]  }
0x2c: {  	s7 =	sld [smem:$0x3FB1]  }
0x2d: {  	s3 =	simm.s32 $0x108;
	s8 =	sld [smem:$0x3FB2]  }
0x2e: {  	s3 =	simm.s32 @!p0 $0x1082;
	s9 =	sld [smem:$0x3FB3]  }
0x2f: {  	lr =	sadd.s32 s0, s3;
	s0 =	sld [smem:$0x3FAA]  }
0x30: {  	s3 =	sld [smem:$0x3FAD]  }
0x31: {  	[smem:$0x3FB6] =	sst s10  }
0x32: {  	s10 =	sld [smem:$0x3FB4];
	_ =	sdelay $0x3  }
0x33: {  	p0 =	seq.s32 s10, $0x1;
	s10 =	sld [smem:$0x3FB6];
	_ =	sdelay $0x3  }
0x34: {  	[smem:$0x3FB6] =	sst s10  }
0x35: {  	s10 =	sld [smem:$0x3FB5];
	_ =	sdelay $0x3  }
0x36: {  	p1 =	seq.s32 s10, $0x1;
	s10 =	sld [smem:$0x3FB6];
	_ =	sdelay $0x3  }
0x37: {  	[smem:$0x3FB6] =	sst s10  }
0x38: {  	s10 =	sld [smem:$0x3FB7]  }
0x39: {  	_ = 	snop;
	(pc) =	sbr.ind lr, $3  }
0x3a: {  	_ = 	snop  }
0x3b: {  	_ = 	snop  }
0x3c: {  	p2 =	seq.s32 s10, $0x1;
	s10 =	sld [smem:$0x3FB6]  }
0x3d: {  	_ =	shalt  }
0x3e: {  	_ =	shalt  }
0x3f: {  	_ =	shalt  }
0x40: {  	_ =	shalt  }
0x41: {  	_ =	shalt  }
0x42: {  	_ =	shalt  }
0x43: {  	_ =	shalt  }
0x44: {  	_ =	shalt  }
0x45: {  	_ =	shalt  }
0x46: {  	_ =	shalt  }
0x47: {  	_ =	shalt  }
0x48: {  	_ =	shalt  }
0x49: {  	_ =	shalt  }
0x4a: {  	_ =	shalt  }
0x4b: {  	_ =	shalt  }
0x4c: {  	_ =	shalt  }
0x4d: {  	_ =	shalt  }
0x4e: {  	_ =	shalt  }
0x4f: {  	_ =	shalt  }
0x50: {  	_ =	shalt  }
0x51: {  	_ =	shalt  }
0x52: {  	_ =	shalt  }
0x53: {  	_ =	shalt  }
0x54: {  	_ =	shalt  }
0x55: {  	_ =	shalt  }
0x56: {  	_ =	shalt  }
0x57: {  	_ =	shalt  }
0x58: {  	_ =	shalt  }
0x59: {  	_ =	shalt  }
0x5a: {  	_ =	shalt  }
0x5b: {  	_ =	shalt  }
0x5c: {  	_ =	shalt  }
0x5d: {  	_ =	shalt  }
0x5e: {  	_ =	shalt  }
0x5f: {  	_ =	shalt  }
0x60: {  	_ =	shalt  }
0x61: {  	_ =	shalt  }
0x62: {  	_ =	shalt  }
0x63: {  	_ =	shalt  }
0x64: {  	_ =	shalt  }
0x65: {  	_ =	shalt  }
0x66: {  	_ =	shalt  }
0x67: {  	_ =	shalt  }
0x68: {  	_ =	shalt  }
0x69: {  	_ =	shalt  }
0x6a: {  	_ =	shalt  }
0x6b: {  	_ =	shalt  }
0x6c: {  	_ =	shalt  }
0x6d: {  	_ =	shalt  }
0x6e: {  	_ =	shalt  }
0x6f: {  	_ =	shalt  }
0x70: {  	_ =	shalt  }
0x71: {  	_ =	shalt  }
0x72: {  	_ =	shalt  }
0x73: {  	_ =	shalt  }
0x74: {  	_ =	shalt  }
0x75: {  	_ =	shalt  }
0x76: {  	_ =	shalt  }
0x77: {  	_ =	shalt  }
0x78: {  	_ =	shalt  }
0x79: {  	_ =	shalt  }
0x7a: {  	_ =	shalt  }
0x7b: {  	_ =	shalt  }
0x7c: {  	_ =	shalt  }
0x7d: {  	_ =	shalt  }
0x7e: {  	_ =	shalt  }
0x7f: {  	_ =	shalt  }
0x80: {  	_ =	shalt  }
0x81: {  	_ =	shalt  }
0x82: {  	_ =	shalt  }
0x83: {  	_ =	shalt  }
0x84: {  	_ =	shalt  }
0x85: {  	_ =	shalt  }
0x86: {  	_ =	shalt  }
0x87: {  	_ =	shalt  }
.Lfunc_end0:
.L_simem_size_0:
called_computation.2_lowered:
.L_overlay_start_0:
0x88: {  	s2 =	sld [smem:$0x3FD9]  }
0x89: {  	s3 =	sld [smem:$0x3FFE];
	_ =	sdelay $0x1  }
0x8a: {  	s1 =	srdreg.scid  }
0x8b: {  	s0 =	sand.u32 $0x1, s1  }
0x8c: {  	s16 =	sshll.u32 s0, $0xA;
	s2 =	sadd.s32 s3, s2  }
0x8d: {  	s2 =	sadd.s32 s2, s16  }
0x8e: {  	[smem:$0x3FC2] =	sst s2  }
0x8f: {  	_ = 	snop  }
0x90: {  	(tm) =	ssettm $0x1  }
0x91: {  	s17 =	sld [smem:$0x3FFB];
	_ =	sdelay $0x3  }
0x92: {  	_ =	strace s17  }
0x93: {  	s2 =	sld [smem:$0x3FFC];
	_ =	sdelay $0x3  }
0x94: {  	_ =	strace s2  }
0x95: {  	s2 =	sld [smem:$0x3FFD];
	_ =	sdelay $0x3  }
0x96: {  	_ =	strace s2  }
0x97: {  	_ =	strace $0x8FFFFFFF  }
0x98: {  	s18 =	sld [smem:$0x3FDB];
	_ =	sdelay $0x1  }
0x99: {  	s19 =	simm.s32 $_scs_section_size  }
0x9a: {  	s4 =	simm.s32 $_size__tile_overlayer_lowered;
	s5 =	simm.s32 $_tile_overlayer_lowered  }
0x9b: {  	s22 =	simm.s32 $0x1BFF;
	s21 =	sshll.u32 s5, $0x1;
	s2 =	sadd.s32 s19, s18  }
0x9c: {  	s6 =	simm.s32 $0x0;
	s20 =	sshll.u32 s4, $0x1;
	s4 =	sadd.s32 s21, s2  }
0x9d: {  	[timem:s6], [sflag:s22] =	dma.local [hbm:s4], s20  }
0x9e: {  	_ =	swait.ge [sflag:s22], s20  }
0x9f: {  	s3 =	ssub.s32 $0x0, s20;
	[sflag:s22] =	ssyncset.done $0x0  }
0xa0: {  	[sflag:s22] =	ssyncadd.s32 s3;
	_ =	sdelay $0x1  }
0xa1: {  	s23 =	simm.s32 $0x1B8B  }
0xa2: {  	_ =	swait.ge [sflag:s23], $0x1  }
0xa3: {  	[sflag:s23] =	ssyncset.done $0x0  }
0xa4: {  	s25 =	simm.s32 $0x1B8E;
	s24 =	sld [smem:$0x3FFE];
	[sflag:s23] =	ssyncadd.s32 $0xFFFFFFFF  }
0xa5: {  	s26 =	simm.s32 $execute0_lowered;
	[smem:$0x3FD2] =	sst s25  }
0xa6: {  	s4 =	sshll.u32 s26, $0x1;
	_ =	strace $0x8000004C;
	[dreg:$0x1] =	wrdreg $0xFFFFFFFF  }
0xa7: {  	s28 =	simm.s32 $_size_execute0_lowered;
	s2 =	sadd.s32 s2, s4;
	[dreg:$0x0] =	wrdreg $0x0  }
0xa8: {  	s4 =	sshll.u32 s28, $0x1;
	[dreg:$0x2] =	wrdreg s2  }
0xa9: {  	[dreg:$0x3] =	wrdreg s4  }
0xaa: {  	[dreg:$0x4] =	wrdreg $0xC0  }
0xab: {  	_ =	task [dreg:s6], $0x5FFFF  }
0xac: {  	[dreg:$0x1] =	wrdreg $0xFFFFFFFF  }
0xad: {  	[dreg:$0x0] =	wrdreg $0x60  }
0xae: {  	[dreg:$0x2] =	wrdreg s24  }
0xaf: {  	[dreg:$0x3] =	wrdreg $0x119400  }
0xb0: {  	[dreg:$0x4] =	wrdreg $0x9  }
0xb1: {  	_ =	task.clear_ibuf [dreg:s6], $0x5FFFF;
	_ =	strace $0x9000004C  }
0xb2: {  	s29 =	simm.s32 $0x9;
	_ =	strace $0x8000004E  }
0xb3: {  	_ =	swait.ge [sflag:s29], $0x1  }
0xb4: {  	[sflag:s29] =	ssyncadd.s32 $0xFFFFFFFF  }
0xb5: {  	_ =	strace $0x9000004E  }
0xb6: {  	_ =	sfence  }
0xb7: {  	s30 =	sld [smem:$0x0];
	_ =	sdelay $0x2  }
0xb8: {  	s31 =	sshll.u32 s1, $0xD;
	s1 =	sshrl.u32 s1, $0x2  }
0xb9: {  	s3 =	sand.u32 $0x4000, s31;
	s1 =	sadd.s32 s1, s30  }
0xba: {  	s0 =	sor.u32 s3, s0;
	s1 =	sshll.u32 s1, $0x11  }
0xbb: {  	s0 =	sor.u32 s1, s0  }
0xbc: {  	s0 =	sadd.s32 $0x8F2B, s0  }
0xbd: {  	[sflag:s0] =	ssyncadd.remote.s32 $0x1  }
0xbe: {  	_ =	sfence.sel $0xFFFF  }
0xbf: {  	[dreg:$0x0] =	wrdreg $0xFFFFFFFF;
	(pc) =	sbr.abs _section_cstart, $3  }
0xc0: {  	[dreg:$0x1] =	wrdreg $0xFFFFFFFF  }
0xc1: {  	_ =	task.clear_ibuf [dreg:s6], $0x2FFFF;
	_ =	strace $0x9FFFFFFF  }
0xc2: {  	(tm) =	ssettm $0x7FFFFFFF  }
0xc3: {  	_ =	shalt  }
tec
execute0_lowered:
.L_overlay_start_1:
0x0: {  	(tag) =	ssettag $0x1  }
0x1: {  	s0 =	rddreg [dreg:$0x0]  }
0x2: {  	s2 =	rddreg [dreg:$0x1]  }
0x3: {  	s3 =	simm.s32 $0x0;
	s13 =	stileid.u32;
	s4 =	srdreg.scid  }
0x4: {  	s21 =	simm.s32 $0x3;
	s28 =	simm.s32 $0x2;
	s29 =	simm.s32 $0x9C40  }
0x5: {  	s30 =	simm.s32 $0x0;
	[smem:$0x7FF] =	sst s3;
	s1 =	smul.u32 $0xC350, s13  }
0x6: {  	s10 =	sand.u32 $0x1, s4;
	s4 =	sadd.s32 $0x7AC00, s0;
	s5 =	sadd.s32 $0x800, s0  }
0x7: {  	s6 =	sadd.s32 $0x31600, s0;
	s11 =	sshll.u32 s13, $0x1;
	s16 =	smul.u32 $0x186A0, s13  }
0x8: {  	s23 =	sshll.u32 s13, $0x6;
	_ =	strace $0x8000004D;
	s8 =	smul.u32 $0xC3500, s10  }
0x9: {  	s9 =	ssub.s32 $0x2, s10;
	s11 =	sor.u32 s10, s11;
	s17 =	smul.u32 $0xC350, s10  }
0xa: {  	s7 =	sshrl.u32 s1, $0x3;
	s12 =	sshrl.u32 s9, $0x1;
	s22 =	smul.u32 $0xC350, s11  }
0xb: {  	s7 =	sadd.s32 s7, s0;
	s8 =	sadd.s32 s1, s8;
	s14 =	ssub.s32 s9, s12  }
0xc: {  	s1 =	sadd.s32 s1, s2;
	s17 =	sadd.s32 s17, s16;
	s8 =	sshrl.u32 s8, $0x3  }
0xd: {  	s7 =	sadd.s32 $0x62400, s7;
	s15 =	sshrl.u32 s22, $0x3;
	s14 =	smax.u32 s14, $0x1  }
0xe: {  	s18 =	sadd.s32 $0x1770, s17;
	s17 =	sadd.s32 $0xFA0, s17;
	s20 =	sshrl.u32 s1, $0x3  }
0xf: {  	s22 =	simm.s32 $0x7D0;
	s0 =	sadd.s32 s8, s0;
	[dreg:$0x3] =	wrdreg s7  }
0x10: {  	s8 =	sor.u32 $0x1C03, s23;
	s24 =	sadd.s32 s5, s15;
	s25 =	sadd.s32 $0xFA, s15  }
0x11: {  	s10 =	sadd.s32 s6, s15;
	s26 =	sadd.s32 $0x1770, s15;
	s31 =	sshrl.u32 s18, $0x3  }
0x12: {  	s23 =	simm.s32 $0xFA0;
	[dreg:$0x4] =	wrdreg s24;
	s11 =	sadd.s32 s5, s25  }
0x13: {  	s12 =	sadd.s32 s6, s25;
	s13 =	sadd.s32 $0x93400, s0;
	s15 =	sadd.s32 s5, s26  }
0x14: {  	s16 =	sadd.s32 s6, s26;
	s18 =	sadd.s32 s31, s6;
	s19 =	sadd.s32 s31, s5  }
0x15: {  	s24 =	simm.s32 $0x1770;
	s25 =	simm.s32 $0x1;
	s26 =	simm.s32 $0x1F40  }
.LBB2_1:
0x16: {  	s0 =	rddreg [dreg:$0x3]  }
0x17: {  	[spmem:s20], [sflag:s8] =	dma.local [hbm:s0], $0x186A  }
0x18: {  	_ =	swait.ge [sflag:s21], $0x186A  }
0x19: {  	[sflag:s21] =	ssyncset.done $0x0  }
0x1a: {  	[sflag:s21] =	ssyncadd.s32 $0xFFFFE796  }
0x1b: {  	[bflag:$0x0] =	sbarrier.arrive $0xFFFF  }
0x1c: {  	s1 =	rddreg [dreg:$0x4]  }
0x1d: {  	[tilespmem:s3], [sflag:$0x1] =	stream.linear.gather [hbm4b:s1+s3], $0x7D0, $0x38;
	[tilespmem:$0x1DC90] =	vst v63  }
0x1e: {  	_ = 	snop  }
0x1f: {  	[tilespmem:s22], [sflag:$0x1] =	stream.linear.gather [hbm4b:s10+s3], $0x7D0, $0x38;
	[tilespmem:$0x1DC90] =	vst v63  }
0x20: {  	_ = 	snop  }
0x21: {  	[tilespmem:s23], [sflag:$0x2] =	stream.linear.gather [hbm4b:s11+s3], $0x7D0, $0x38;
	[tilespmem:$0x1DC90] =	vst v63  }
0x22: {  	_ = 	snop  }
0x23: {  	[tilespmem:s24], [sflag:$0x2] =	stream.linear.gather [hbm4b:s12+s3], $0x7D0, $0x38;
	[tilespmem:$0x1DC90] =	vst v63  }
0x24: {  	_ =	swait.ge [sflag:s25], $0x7D0  }
0x25: {  	[sflag:s25] =	ssyncset.done $0x0  }
0x26: {  	[sflag:s25] =	ssyncadd.s32 $0xFFFFF830  }
0x27: {  	_ =	swait.ge [sflag:s25], $0x7D0  }
0x28: {  	[sflag:s25] =	ssyncset.done $0x0  }
0x29: {  	[sflag:s25] =	ssyncadd.s32 $0xFFFFF830  }
0x2a: {  	[tilespmem:s26], [sflag:$0x1] =	stream.indirect.gather [hbm4b:s4+s22], $0x10, s3, s22, $0xb8;
	[tilespmem:$0x1DC90] =	vst v63  }
0x2b: {  	_ =	swait.ge [sflag:s28], $0x7D0  }
0x2c: {  	[sflag:s28] =	ssyncset.done $0x0  }
0x2d: {  	[sflag:s28] =	ssyncadd.s32 $0xFFFFF830  }
0x2e: {  	_ =	swait.ge [sflag:s28], $0x7D0  }
0x2f: {  	[sflag:s28] =	ssyncset.done $0x0  }
0x30: {  	[sflag:s28] =	ssyncadd.s32 $0xFFFFF830  }
0x31: {  	[tilespmem:s29], [sflag:$0x2] =	stream.indirect.gather [hbm4b:s4+s22], $0x10, s23, s22, $0xb8;
	[tilespmem:$0x1DC90] =	vst v63  }
0x32: {  	_ =	swait.ge [sflag:s25], $0x7D00  }
0x33: {  	[sflag:s25] =	ssyncset.done $0x0  }
0x34: {  	[sflag:s25] =	ssyncadd.s32 $0xFFFF8300  }
0x35: {  	[spmem:s2] =	stream.indirect.scatter.add.f32 [tilespmem:s26], [sflag:$0x3], $0x10, s22, s22, $0xb8;
	[tilespmem:$0x1DC90] =	vst v63  }
0x36: {  	_ =	swait.ge [sflag:s21], $0x7D00  }
0x37: {  	s7 =	sshrl.u32 s17, $0x3;
	[sflag:s21] =	ssyncset.done $0x0  }
0x38: {  	s1 =	sadd.s32 s5, s7;
	[sflag:s21] =	ssyncadd.s32 $0xFFFF8300  }
0x39: {  	[tilespmem:s3], [sflag:$0x1] =	stream.linear.gather [hbm4b:s1+s3], $0x7D0, $0x38;
	[tilespmem:$0x1DC90] =	vst v63  }
0x3a: {  	s0 =	sadd.s32 s6, s7  }
0x3b: {  	[tilespmem:s22], [sflag:$0x1] =	stream.linear.gather [hbm4b:s0+s3], $0x7D0, $0x38;
	[tilespmem:$0x1DC90] =	vst v63  }
0x3c: {  	_ =	swait.ge [sflag:s25], $0x7D0  }
0x3d: {  	[sflag:s25] =	ssyncset.done $0x0  }
0x3e: {  	[sflag:s25] =	ssyncadd.s32 $0xFFFFF830  }
0x3f: {  	_ =	swait.ge [sflag:s25], $0x7D0  }
0x40: {  	[sflag:s25] =	ssyncset.done $0x0  }
0x41: {  	[sflag:s25] =	ssyncadd.s32 $0xFFFFF830  }
0x42: {  	[tilespmem:s26], [sflag:$0x1] =	stream.indirect.gather [hbm4b:s4+s22], $0x10, s3, s22, $0xb8;
	[tilespmem:$0x1DC90] =	vst v63  }
0x43: {  	_ =	swait.ge [sflag:s28], $0x7D00  }
0x44: {  	[sflag:s28] =	ssyncset.done $0x0  }
0x45: {  	[sflag:s28] =	ssyncadd.s32 $0xFFFF8300  }
0x46: {  	[spmem:s2] =	stream.indirect.scatter.add.f32 [tilespmem:s29], [sflag:$0x3], $0x10, s24, s22, $0xb8;
	[tilespmem:$0x1DC90] =	vst v63  }
0x47: {  	_ =	swait.ge [sflag:s21], $0x7D00  }
0x48: {  	s9 =	sadd.s32 $0x0, s19;
	s31 =	simm.s32 $0x1F4;
	[sflag:s21] =	ssyncset.done $0x0  }
0x49: {  	s1 =	sadd.s32 $0x0, s18;
	s0 =	sadd.s32 $0xFA0, s17;
	[sflag:s21] =	ssyncadd.s32 $0xFFFF8300  }
0x4a: {  	[tilespmem:s23], [sflag:$0x2] =	stream.linear.gather [hbm4b:s9+s3], $0x7D0, $0x38;
	[tilespmem:$0x1DC90] =	vst v63  }
.LBB2_2:
0x4b: {  	[tilespmem:s24], [sflag:$0x2] =	stream.linear.gather [hbm4b:s1+s3], $0x7D0, $0x38;
	[tilespmem:$0x1DC90] =	vst v63  }
0x4c: {  	s1 =	smov.u32 s31  }
0x4d: {  	p0 =	sne.s32 s31, $0x1388;
	s31 =	sadd.s32 $0x1F4, s31;
	_ =	swait.ge [sflag:s28], $0x7D0  }
0x4e: {  	[sflag:s28] =	ssyncset.done $0x0  }
0x4f: {  	[sflag:s28] =	ssyncadd.s32 $0xFFFFF830  }
0x50: {  	_ =	swait.ge [sflag:s28], $0x7D0  }
0x51: {  	[sflag:s28] =	ssyncset.done $0x0  }
0x52: {  	[sflag:s28] =	ssyncadd.s32 $0xFFFFF830  }
0x53: {  	[tilespmem:s29], [sflag:$0x2] =	stream.indirect.gather [hbm4b:s4+s22], $0x10, s23, s22, $0xb8;
	[tilespmem:$0x1DC90] =	vst v63  }
0x54: {  	_ =	swait.ge [sflag:s25], $0x7D00  }
0x55: {  	[sflag:s25] =	ssyncset.done $0x0  }
0x56: {  	[sflag:s25] =	ssyncadd.s32 $0xFFFF8300  }
0x57: {  	[spmem:s2] =	stream.indirect.scatter.add.f32 [tilespmem:s26], [sflag:$0x3], $0x10, s22, s22, $0xb8;
	[tilespmem:$0x1DC90] =	vst v63  }
0x58: {  	_ =	swait.ge [sflag:s21], $0x7D00  }
0x59: {  	s7 =	sshrl.u32 s0, $0x3;
	[sflag:s21] =	ssyncset.done $0x0  }
0x5a: {  	s9 =	sadd.s32 s5, s7;
	[sflag:s21] =	ssyncadd.s32 $0xFFFF8300  }
0x5b: {  	[tilespmem:s3], [sflag:$0x1] =	stream.linear.gather [hbm4b:s9+s3], $0x7D0, $0x38;
	[tilespmem:$0x1DC90] =	vst v63  }
0x5c: {  	s7 =	sadd.s32 s6, s7  }
0x5d: {  	[tilespmem:s22], [sflag:$0x1] =	stream.linear.gather [hbm4b:s7+s3], $0x7D0, $0x38;
	[tilespmem:$0x1DC90] =	vst v63  }
0x5e: {  	_ =	swait.ge [sflag:s25], $0x7D0  }
0x5f: {  	[sflag:s25] =	ssyncset.done $0x0  }
0x60: {  	[sflag:s25] =	ssyncadd.s32 $0xFFFFF830  }
0x61: {  	_ =	swait.ge [sflag:s25], $0x7D0  }
0x62: {  	[sflag:s25] =	ssyncset.done $0x0  }
0x63: {  	[sflag:s25] =	ssyncadd.s32 $0xFFFFF830  }
0x64: {  	[tilespmem:s26], [sflag:$0x1] =	stream.indirect.gather [hbm4b:s4+s22], $0x10, s3, s22, $0xb8;
	[tilespmem:$0x1DC90] =	vst v63  }
0x65: {  	_ =	swait.ge [sflag:s28], $0x7D00  }
0x66: {  	[sflag:s28] =	ssyncset.done $0x0  }
0x67: {  	[sflag:s28] =	ssyncadd.s32 $0xFFFF8300  }
0x68: {  	[spmem:s2] =	stream.indirect.scatter.add.f32 [tilespmem:s29], [sflag:$0x3], $0x10, s24, s22, $0xb8;
	[tilespmem:$0x1DC90] =	vst v63  }
.Ltmp0:
0x69: {  	_ =	swait.ge [sflag:s21], $0x7D00;
	(pc) =	sbr.rel @p0 .LBB2_2-.Ltmp0, $4  }
0x6a: {  	[sflag:s21] =	ssyncset.done $0x0  }
0x6b: {  	s7 =	sadd.s32 s1, s19;
	[sflag:s21] =	ssyncadd.s32 $0xFFFF8300  }
0x6c: {  	[tilespmem:s23], [sflag:$0x2] =	stream.linear.gather [hbm4b:s7+s3], $0x7D0, $0x38;
	[tilespmem:$0x1DC90] =	vst v63  }
0x6d: {  	s0 =	sadd.s32 $0xFA0, s0;
	s1 =	sadd.s32 s1, s18  }
0x6e: {  	[tilespmem:s24], [sflag:$0x2] =	stream.linear.gather [hbm4b:s1+s3], $0x7D0, $0x38;
	[tilespmem:$0x1DC90] =	vst v63  }
0x6f: {  	_ =	swait.ge [sflag:s28], $0x7D0  }
0x70: {  	[sflag:s28] =	ssyncset.done $0x0  }
0x71: {  	[sflag:s28] =	ssyncadd.s32 $0xFFFFF830  }
0x72: {  	_ =	swait.ge [sflag:s28], $0x7D0  }
0x73: {  	[sflag:s28] =	ssyncset.done $0x0  }
0x74: {  	[sflag:s28] =	ssyncadd.s32 $0xFFFFF830  }
0x75: {  	[tilespmem:s29], [sflag:$0x2] =	stream.indirect.gather [hbm4b:s4+s22], $0x10, s23, s22, $0xb8;
	[tilespmem:$0x1DC90] =	vst v63  }
0x76: {  	_ =	swait.ge [sflag:s25], $0x7D00  }
0x77: {  	[sflag:s25] =	ssyncset.done $0x0  }
0x78: {  	[sflag:s25] =	ssyncadd.s32 $0xFFFF8300  }
0x79: {  	[spmem:s2] =	stream.indirect.scatter.add.f32 [tilespmem:s26], [sflag:$0x3], $0x10, s22, s22, $0xb8;
	[tilespmem:$0x1DC90] =	vst v63  }
0x7a: {  	_ =	swait.ge [sflag:s21], $0x7D00  }
0x7b: {  	[sflag:s21] =	ssyncset.done $0x0  }
0x7c: {  	[sflag:s21] =	ssyncadd.s32 $0xFFFF8300  }
0x7d: {  	[tilespmem:s3], [sflag:$0x1] =	stream.linear.gather [hbm4b:s15+s3], $0x7D0, $0x38;
	[tilespmem:$0x1DC90] =	vst v63  }
0x7e: {  	_ = 	snop  }
0x7f: {  	[tilespmem:s22], [sflag:$0x1] =	stream.linear.gather [hbm4b:s16+s3], $0x7D0, $0x38;
	[tilespmem:$0x1DC90] =	vst v63  }
0x80: {  	_ =	swait.ge [sflag:s25], $0x7D0  }
0x81: {  	[sflag:s25] =	ssyncset.done $0x0  }
0x82: {  	[sflag:s25] =	ssyncadd.s32 $0xFFFFF830  }
0x83: {  	_ =	swait.ge [sflag:s25], $0x7D0  }
0x84: {  	[sflag:s25] =	ssyncset.done $0x0  }
0x85: {  	[sflag:s25] =	ssyncadd.s32 $0xFFFFF830  }
0x86: {  	[tilespmem:s26], [sflag:$0x1] =	stream.indirect.gather [hbm4b:s4+s22], $0x10, s3, s22, $0xb8;
	[tilespmem:$0x1DC90] =	vst v63  }
0x87: {  	_ =	swait.ge [sflag:s28], $0x7D00  }
0x88: {  	[sflag:s28] =	ssyncset.done $0x0  }
0x89: {  	[sflag:s28] =	ssyncadd.s32 $0xFFFF8300  }
0x8a: {  	[spmem:s2] =	stream.indirect.scatter.add.f32 [tilespmem:s29], [sflag:$0x3], $0x10, s24, s22, $0xb8;
	[tilespmem:$0x1DC90] =	vst v63  }
0x8b: {  	_ =	swait.ge [sflag:s21], $0x7D00  }
0x8c: {  	[sflag:s21] =	ssyncset.done $0x0  }
0x8d: {  	[sflag:s21] =	ssyncadd.s32 $0xFFFF8300  }
0x8e: {  	[tilespmem:s23], [sflag:$0x2] =	stream.linear.gather [hbm4b:s15+s3], $0x7D0, $0x38;
	[tilespmem:$0x1DC90] =	vst v63  }
0x8f: {  	_ = 	snop  }
0x90: {  	[tilespmem:s24], [sflag:$0x2] =	stream.linear.gather [hbm4b:s16+s3], $0x7D0, $0x38;
	[tilespmem:$0x1DC90] =	vst v63  }
0x91: {  	_ =	swait.ge [sflag:s28], $0x7D0  }
0x92: {  	[sflag:s28] =	ssyncset.done $0x0  }
0x93: {  	[sflag:s28] =	ssyncadd.s32 $0xFFFFF830  }
0x94: {  	_ =	swait.ge [sflag:s28], $0x7D0  }
0x95: {  	[sflag:s28] =	ssyncset.done $0x0  }
0x96: {  	[sflag:s28] =	ssyncadd.s32 $0xFFFFF830  }
0x97: {  	_ =	swait.ge [sflag:s25], $0x7D00  }
0x98: {  	[sflag:s25] =	ssyncset.done $0x0  }
0x99: {  	[sflag:s25] =	ssyncadd.s32 $0xFFFF8300  }
0x9a: {  	[spmem:s2] =	stream.indirect.scatter.add.f32 [tilespmem:s26], [sflag:$0x3], $0x10, s22, s22, $0xb8;
	[tilespmem:$0x1DC90] =	vst v63  }
0x9b: {  	_ =	swait.ge [sflag:s21], $0x7D00  }
0x9c: {  	s30 =	sadd.s32 $0x1, s30;
	[sflag:s21] =	ssyncset.done $0x0  }
0x9d: {  	p0 =	sne.s32 s30, s14;
	[sflag:s21] =	ssyncadd.s32 $0xFFFF8300  }
.Ltmp1:
0x9e: {  	[bflag:$0x0] =	sbarrier.arrive $0xFFFF;
	(pc) =	sbr.rel @p0 .LBB2_1-.Ltmp1, $4  }
0x9f: {  	[hbm:s13], [sflag:s8] =	dma.local [spmem:s20], $0x186A  }
0xa0: {  	_ =	swait.ge [sflag:s21], $0x186A  }
0xa1: {  	[sflag:s21] =	ssyncset.done $0x0  }
0xa2: {  	[sflag:s21] =	ssyncadd.s32 $0xFFFFE796  }
0xa3: {  	_ =	sfence.sel $0x180000  }
0xa4: {  	[bflag:$0x0] =	sbarrier.arrive $0xFFFF  }
0xa5: {  	_ =	strace $0x9000004D  }
0xa6: {  	s0 =	stileid.u32;
	[bflag:$0x2] =	sbarrier.arrive $0xFFFF  }
0xa7: {  	p0 =	sne.s32 s0, $0x0;
	s0 =	rddreg [dreg:$0x2]  }
0xa8: {  	s0 =	sadd.s32 @!p0 $0x100000, s0  }
0xa9: {  	[sflag:s0] =	ssyncadd.tile.s32 @!p0 $0x1;
	_ =	shalt  }
.Lfunc_end2:
_tile_overlayer_lowered:
.L_overlay_start_2:
0xaa: {  	(tag) =	ssettag $0x2  }
0xab: {  	s0 =	rddreg [dreg:$0x0];
	s2 =	stileid.u32  }
0xac: {  	s1 =	rddreg [dreg:$0x1];
	p0 =	sne.s32 s2, $0x0  }
0xad: {  	s3 =	rddreg [dreg:$0x2];
	[bflag:$0x3] =	sbarrier.arrive $0xFFFF;
	s2 =	simm.s32 @!p0 $0x1C03  }
0xae: {  	[timem:s3], [sflag:s2] =	dma.local @!p0 [hbm:s0], s1  }
0xaf: {  	s0 =	simm.s32 @!p0 $0x3  }
0xb0: {  	_ =	swait.ge @!p0 [sflag:s0], s1  }
0xb1: {  	s1 =	ssub.s32 @!p0 $0x0, s1;
	[sflag:s0] =	ssyncset.done @!p0 $0x0  }
0xb2: {  	[sflag:s0] =	ssyncadd.s32 @!p0 s1  }
0xb3: {  	[bflag:$0x3] =	sbarrier.arrive $0xFFFF  }
0xb4: {  	_ =	shalt  }

// kernel: kernel.9.cloned.1.call-start
scs
__scs_entry_jumppad:
0x0: {  	(pc) =	sbr.rel $0x88, $3  }
0x1: {  	(tag) =	ssettag $0x0;
	lr =	simm.s32 $0x1  }
0x2: {  	[smem:$0x3F9B] =	sst lr;
	_ =	strace $0xD0000000  }
0x3: {  	_ = 	snop  }
0x4: {  	_ = 	snop  }
0x5: {  	_ = 	snop  }
0x6: {  	_ = 	snop  }
0x7: {  	_ = 	snop  }
__scs_overlays_trampoline_lowered:
0x8: {  	[smem:$0x3FAA] =	sst s0  }
0x9: {  	[smem:$0x3FAB] =	sst s1  }
0xa: {  	[smem:$0x3FAC] =	sst s2  }
0xb: {  	[smem:$0x3FAD] =	sst s3  }
0xc: {  	[smem:$0x3FAE] =	sst s4  }
0xd: {  	[smem:$0x3FAF] =	sst s5  }
0xe: {  	[smem:$0x3FB0] =	sst s6  }
0xf: {  	[smem:$0x3FB1] =	sst s7  }
0x10: {  	[smem:$0x3FB2] =	sst s8  }
0x11: {  	[smem:$0x3FB3] =	sst s9;
	s0 =	simm.s32 @!p0 $0x0  }
0x12: {  	s1 =	sld [smem:$0x3F99];
	s0 =	simm.s32 @p0 $0x1  }
0x13: {  	[smem:$0x3FB4] =	sst s0;
	s0 =	simm.s32 @!p1 $0x0  }
0x14: {  	s2 =	sld [smem:$0x3F98];
	s0 =	simm.s32 @p1 $0x1  }
0x15: {  	[smem:$0x3FB5] =	sst s0;
	s0 =	simm.s32 @!p2 $0x0  }
0x16: {  	s3 =	sld [smem:$0x3FDB];
	s0 =	simm.s32 @p2 $0x1  }
0x17: {  	s4 =	simm.s32 $0x1BF5;
	[smem:$0x3FB7] =	sst s0  }
0x18: {  	s0 =	sld [smem:$0x3F9A];
	_ =	swait.ge [sflag:s4], $0x0  }
0x19: {  	s7 =	sld [smem:$0x3F9B]  }
0x1a: {  	s8 =	sadd.s32 $0xFFFFE003, lr  }
0x1b: {  	s9 =	sadd.s32 $0xFFFFFEF7, lr;
	s5 =	simm.s32 $0xFFFFFFFF;
	p2 =	slt.u32 s8, $0xFFFFF086  }
0x1c: {  	p1 =	slt.u32 s9, $0xF7A;
	s5 =	simm.s32 @!p2 $0x0  }
0x1d: {  	s5 =	simm.s32 @p1 $0x1;
	p0 =	seq.s32 s7, s2  }
0x1e: {  	s7 =	smul.u32 @!p0 $0xF7A, s2;
	p2 =	seq.s32 @!p0 s5, $0x0  }
0x1f: {  	s9 =	smul.u32 $0xF7A, s1;
	s8 =	simm.s32 @!p0 $0x1BF5;
	p2 =	por !p2, p0  }
0x20: {  	[sflag:s8] =	ssyncset.s32 @!p0 $0xFFFFF086;
	s6 =	sadd.s32 @!p0 s3, s7;
	s7 =	simm.s32 @!p0 $0x108  }
0x21: {  	s3 =	sadd.s32 s3, s9;
	s6 =	sadd.s32 @!p0 $0x88, s6;
	s7 =	simm.s32 @p2 $0x1082  }
0x22: {  	[simem:s7], [sflag:s8] =	dma.local @!p0 [hbm:s6], $0xF7A  }
0x23: {  	s9 =	sor.u32 $0xD0000000, s2;
	s6 =	simm.s32 $0x108;
	_ =	swait.ge @!p0 [sflag:s8], $0x0  }
0x24: {  	s3 =	sadd.s32 $0x88, s3;
	s6 =	simm.s32 @!p1 $0x1082;
	[sflag:s4] =	ssyncset.s32 $0xFFFFF086  }
0x25: {  	[simem:s6], [sflag:s4] =	dma.local [hbm:s3], $0xF7A  }
0x26: {  	[smem:$0x3F9B] =	sst s1;
	(tag) =	ssettag s2;
	_ =	strace s9  }
0x27: {  	s1 =	sld [smem:$0x3FAB]  }
0x28: {  	s2 =	sld [smem:$0x3FAC]  }
0x29: {  	s4 =	sld [smem:$0x3FAE]  }
0x2a: {  	p0 =	seq.s32 s5, $0x0;
	s5 =	sld [smem:$0x3FAF]  }
0x2b: {  	s6 =	sld [smem:$0x3FB0]  }
0x2c: {  	s7 =	sld [smem:$0x3FB1]  }
0x2d: {  	s3 =	simm.s32 $0x108;
	s8 =	sld [smem:$0x3FB2]  }
0x2e: {  	s3 =	simm.s32 @!p0 $0x1082;
	s9 =	sld [smem:$0x3FB3]  }
0x2f: {  	lr =	sadd.s32 s0, s3;
	s0 =	sld [smem:$0x3FAA]  }
0x30: {  	s3 =	sld [smem:$0x3FAD]  }
0x31: {  	[smem:$0x3FB6] =	sst s10  }
0x32: {  	s10 =	sld [smem:$0x3FB4];
	_ =	sdelay $0x3  }
0x33: {  	p0 =	seq.s32 s10, $0x1;
	s10 =	sld [smem:$0x3FB6];
	_ =	sdelay $0x3  }
0x34: {  	[smem:$0x3FB6] =	sst s10  }
0x35: {  	s10 =	sld [smem:$0x3FB5];
	_ =	sdelay $0x3  }
0x36: {  	p1 =	seq.s32 s10, $0x1;
	s10 =	sld [smem:$0x3FB6];
	_ =	sdelay $0x3  }
0x37: {  	[smem:$0x3FB6] =	sst s10  }
0x38: {  	s10 =	sld [smem:$0x3FB7]  }
0x39: {  	_ = 	snop;
	(pc) =	sbr.ind lr, $3  }
0x3a: {  	_ = 	snop  }
0x3b: {  	_ = 	snop  }
0x3c: {  	p2 =	seq.s32 s10, $0x1;
	s10 =	sld [smem:$0x3FB6]  }
0x3d: {  	_ =	shalt  }
0x3e: {  	_ =	shalt  }
0x3f: {  	_ =	shalt  }
0x40: {  	_ =	shalt  }
0x41: {  	_ =	shalt  }
0x42: {  	_ =	shalt  }
0x43: {  	_ =	shalt  }
0x44: {  	_ =	shalt  }
0x45: {  	_ =	shalt  }
0x46: {  	_ =	shalt  }
0x47: {  	_ =	shalt  }
0x48: {  	_ =	shalt  }
0x49: {  	_ =	shalt  }
0x4a: {  	_ =	shalt  }
0x4b: {  	_ =	shalt  }
0x4c: {  	_ =	shalt  }
0x4d: {  	_ =	shalt  }
0x4e: {  	_ =	shalt  }
0x4f: {  	_ =	shalt  }
0x50: {  	_ =	shalt  }
0x51: {  	_ =	shalt  }
0x52: {  	_ =	shalt  }
0x53: {  	_ =	shalt  }
0x54: {  	_ =	shalt  }
0x55: {  	_ =	shalt  }
0x56: {  	_ =	shalt  }
0x57: {  	_ =	shalt  }
0x58: {  	_ =	shalt  }
0x59: {  	_ =	shalt  }
0x5a: {  	_ =	shalt  }
0x5b: {  	_ =	shalt  }
0x5c: {  	_ =	shalt  }
0x5d: {  	_ =	shalt  }
0x5e: {  	_ =	shalt  }
0x5f: {  	_ =	shalt  }
0x60: {  	_ =	shalt  }
0x61: {  	_ =	shalt  }
0x62: {  	_ =	shalt  }
0x63: {  	_ =	shalt  }
0x64: {  	_ =	shalt  }
0x65: {  	_ =	shalt  }
0x66: {  	_ =	shalt  }
0x67: {  	_ =	shalt  }
0x68: {  	_ =	shalt  }
0x69: {  	_ =	shalt  }
0x6a: {  	_ =	shalt  }
0x6b: {  	_ =	shalt  }
0x6c: {  	_ =	shalt  }
0x6d: {  	_ =	shalt  }
0x6e: {  	_ =	shalt  }
0x6f: {  	_ =	shalt  }
0x70: {  	_ =	shalt  }
0x71: {  	_ =	shalt  }
0x72: {  	_ =	shalt  }
0x73: {  	_ =	shalt  }
0x74: {  	_ =	shalt  }
0x75: {  	_ =	shalt  }
0x76: {  	_ =	shalt  }
0x77: {  	_ =	shalt  }
0x78: {  	_ =	shalt  }
0x79: {  	_ =	shalt  }
0x7a: {  	_ =	shalt  }
0x7b: {  	_ =	shalt  }
0x7c: {  	_ =	shalt  }
0x7d: {  	_ =	shalt  }
0x7e: {  	_ =	shalt  }
0x7f: {  	_ =	shalt  }
0x80: {  	_ =	shalt  }
0x81: {  	_ =	shalt  }
0x82: {  	_ =	shalt  }
0x83: {  	_ =	shalt  }
0x84: {  	_ =	shalt  }
0x85: {  	_ =	shalt  }
0x86: {  	_ =	shalt  }
0x87: {  	_ =	shalt  }
.Lfunc_end0:
.L_simem_size_0:
called_computation_lowered:
.L_overlay_start_0:
0x88: {  	s2 =	sld [smem:$0x3FD9]  }
0x89: {  	s3 =	sld [smem:$0x3FFE];
	_ =	sdelay $0x1  }
0x8a: {  	s1 =	srdreg.scid  }
0x8b: {  	s0 =	sand.u32 $0x1, s1  }
0x8c: {  	s16 =	sshll.u32 s0, $0xA;
	s2 =	sadd.s32 s3, s2  }
0x8d: {  	s2 =	sadd.s32 s2, s16  }
0x8e: {  	[smem:$0x3FC2] =	sst s2  }
0x8f: {  	_ = 	snop  }
0x90: {  	(tm) =	ssettm $0x1  }
0x91: {  	s17 =	sld [smem:$0x3FFB];
	_ =	sdelay $0x3  }
0x92: {  	_ =	strace s17  }
0x93: {  	s2 =	sld [smem:$0x3FFC];
	_ =	sdelay $0x3  }
0x94: {  	_ =	strace s2  }
0x95: {  	s2 =	sld [smem:$0x3FFD];
	_ =	sdelay $0x3  }
0x96: {  	_ =	strace s2  }
0x97: {  	_ =	strace $0x8FFFFFFF  }
0x98: {  	s18 =	sld [smem:$0x3FDB];
	_ =	sdelay $0x1  }
0x99: {  	s19 =	simm.s32 $_scs_section_size  }
0x9a: {  	s4 =	simm.s32 $_size__tile_overlayer_lowered;
	s5 =	simm.s32 $_tile_overlayer_lowered  }
0x9b: {  	s22 =	simm.s32 $0x1BFF;
	s21 =	sshll.u32 s5, $0x1;
	s2 =	sadd.s32 s19, s18  }
0x9c: {  	s6 =	simm.s32 $0x0;
	s20 =	sshll.u32 s4, $0x1;
	s4 =	sadd.s32 s21, s2  }
0x9d: {  	[timem:s6], [sflag:s22] =	dma.local [hbm:s4], s20  }
0x9e: {  	_ =	swait.ge [sflag:s22], s20  }
0x9f: {  	s3 =	ssub.s32 $0x0, s20;
	[sflag:s22] =	ssyncset.done $0x0  }
0xa0: {  	[sflag:s22] =	ssyncadd.s32 s3;
	_ =	sdelay $0x1  }
0xa1: {  	s23 =	simm.s32 $0x1B8B  }
0xa2: {  	_ =	swait.ge [sflag:s23], $0x1  }
0xa3: {  	[sflag:s23] =	ssyncset.done $0x0  }
0xa4: {  	s25 =	simm.s32 $0x1B8E;
	s24 =	sld [smem:$0x3FFE];
	[sflag:s23] =	ssyncadd.s32 $0xFFFFFFFF  }
0xa5: {  	s26 =	simm.s32 $execute0_lowered;
	[smem:$0x3FD2] =	sst s25  }
0xa6: {  	s4 =	sshll.u32 s26, $0x1;
	_ =	strace $0x80000046;
	[dreg:$0x1] =	wrdreg $0xFFFFFFFF  }
0xa7: {  	s28 =	simm.s32 $_size_execute0_lowered;
	s2 =	sadd.s32 s2, s4;
	[dreg:$0x0] =	wrdreg $0x0  }
0xa8: {  	s4 =	sshll.u32 s28, $0x1;
	[dreg:$0x2] =	wrdreg s2  }
0xa9: {  	[dreg:$0x3] =	wrdreg s4  }
0xaa: {  	[dreg:$0x4] =	wrdreg $0xC0  }
0xab: {  	_ =	task [dreg:s6], $0x5FFFF  }
0xac: {  	[dreg:$0x1] =	wrdreg $0xFFFFFFFF  }
0xad: {  	[dreg:$0x0] =	wrdreg $0x60  }
0xae: {  	[dreg:$0x2] =	wrdreg s24  }
0xaf: {  	[dreg:$0x3] =	wrdreg $0x8CA00  }
0xb0: {  	[dreg:$0x4] =	wrdreg $0x9  }
0xb1: {  	_ =	task.clear_ibuf [dreg:s6], $0x5FFFF;
	_ =	strace $0x90000046  }
0xb2: {  	s29 =	simm.s32 $0x9;
	_ =	strace $0x80000048  }
0xb3: {  	_ =	swait.ge [sflag:s29], $0x1  }
0xb4: {  	[sflag:s29] =	ssyncadd.s32 $0xFFFFFFFF  }
0xb5: {  	_ =	strace $0x90000048  }
0xb6: {  	_ =	sfence  }
0xb7: {  	s30 =	sld [smem:$0x0];
	_ =	sdelay $0x2  }
0xb8: {  	s31 =	sshll.u32 s1, $0xD;
	s1 =	sshrl.u32 s1, $0x2  }
0xb9: {  	s3 =	sand.u32 $0x4000, s31;
	s1 =	sadd.s32 s1, s30  }
0xba: {  	s0 =	sor.u32 s3, s0;
	s1 =	sshll.u32 s1, $0x11  }
0xbb: {  	s0 =	sor.u32 s1, s0  }
0xbc: {  	s0 =	sadd.s32 $0x8F2B, s0  }
0xbd: {  	[sflag:s0] =	ssyncadd.remote.s32 $0x1  }
0xbe: {  	_ =	sfence.sel $0xFFFF  }
0xbf: {  	[dreg:$0x0] =	wrdreg $0xFFFFFFFF;
	(pc) =	sbr.abs _section_cstart, $3  }
0xc0: {  	[dreg:$0x1] =	wrdreg $0xFFFFFFFF  }
0xc1: {  	_ =	task.clear_ibuf [dreg:s6], $0x2FFFF;
	_ =	strace $0x9FFFFFFF  }
0xc2: {  	(tm) =	ssettm $0x7FFFFFFF  }
0xc3: {  	_ =	shalt  }
tec
execute0_lowered:
.L_overlay_start_1:
0x0: {  	(tag) =	ssettag $0x1  }
0x1: {  	s5 =	rddreg [dreg:$0x0]  }
0x2: {  	s2 =	rddreg [dreg:$0x1]  }
0x3: {  	s0 =	rddreg [dreg:$0x2]  }
0x4: {  	s3 =	simm.s32 $0x0;
	s1 =	stileid.u32;
	s4 =	srdreg.scid  }
0x5: {  	s14 =	simm.s32 $0x7D0;
	s15 =	simm.s32 $0x1;
	s16 =	simm.s32 $0xFA0  }
0x6: {  	s17 =	simm.s32 $0x2;
	s18 =	simm.s32 $0x0;
	[smem:$0x7FF] =	sst s3  }
0x7: {  	s6 =	smul.u32 $0xC350, s1;
	s7 =	sand.u32 $0x1, s4;
	s9 =	sshll.u32 s1, $0x1  }
0x8: {  	s4 =	sadd.s32 $0x31600, s5;
	s12 =	smul.u32 $0x186A0, s1;
	s29 =	sshll.u32 s1, $0x6  }
0x9: {  	_ =	strace $0x80000047;
	s8 =	smul.u32 $0xC3500, s7;
	s9 =	sor.u32 s7, s9  }
0xa: {  	s11 =	ssub.s32 $0x2, s7;
	s7 =	smul.u32 $0xC350, s7;
	s10 =	sshrl.u32 s6, $0x3  }
0xb: {  	s9 =	smul.u32 $0xC350, s9;
	s28 =	sshrl.u32 s11, $0x1;
	s13 =	sadd.s32 s6, s2  }
0xc: {  	s10 =	sadd.s32 s10, s5;
	s8 =	sadd.s32 s6, s8;
	s11 =	ssub.s32 s11, s28  }
0xd: {  	s30 =	sadd.s32 s7, s12;
	s6 =	sor.u32 $0x1C03, s29;
	s8 =	sshrl.u32 s8, $0x3  }
0xe: {  	s9 =	sshrl.u32 s9, $0x3;
	s12 =	sadd.s32 $0x7D0, s30;
	s8 =	sadd.s32 s8, s5  }
0xf: {  	s5 =	sadd.s32 $0x62400, s10;
	s7 =	sadd.s32 s4, s9;
	s9 =	smax.u32 s11, $0x1  }
0x10: {  	s31 =	sshrl.u32 s12, $0x3;
	s10 =	sadd.s32 $0xFA0, s30;
	s12 =	sshrl.u32 s13, $0x3  }
0x11: {  	v0 =	vimm.f32 $1.000000000e+00;
	s13 =	simm.s32 $0x3;
	s8 =	sadd.s32 $0x7AC00, s8;
	s11 =	sadd.s32 s31, s4  }
.LBB2_1:
0x12: {  	[spmem:s12], [sflag:s6] =	dma.local [hbm:s5], $0x186A  }
0x13: {  	_ =	swait.ge [sflag:s13], $0x186A  }
0x14: {  	[sflag:s13] =	ssyncset.done $0x0  }
0x15: {  	s19 =	simm.s32 $0x40;
	s20 =	simm.s32 $0x0;
	[sflag:s13] =	ssyncadd.s32 $0xFFFFE796  }
.LBB2_2:
0x16: {  	p0 =	sne.s32 s19, $0x1F3C0;
	[tilespmem:s20+$0xFA0] =	vst v0;
	s20 =	smov.u32 s19;
	s19 =	sadd.s32 $0x40, s19  }
.Ltmp0:
0x17: {  	(pc) =	sbr.rel @p0 .LBB2_2-.Ltmp0, $2  }
0x18: {  	_ =	sdelay $0x2  }
0x19: {  	s20 =	sshra.s32 s20, $0x2  }
0x1a: {  	[tilespmem:s20+$0xFA0] =	vst v0  }
0x1b: {  	s19 =	simm.s32 $0x0;
	[bflag:$0x0] =	sbarrier.arrive $0xFFFF  }
0x1c: {  	[tilespmem:s19], [sflag:$0x1] =	stream.linear.gather [hbm4b:s7+s19], $0x7D0, $0x38;
	[tilespmem:$0x14FF0] =	vst v63  }
0x1d: {  	s30 =	sadd.s32 $0x0, s11  }
0x1e: {  	[tilespmem:s14], [sflag:$0x2] =	stream.linear.gather [hbm4b:s30+s3], $0x7D0, $0x38;
	[tilespmem:$0x14FF0] =	vst v63  }
0x1f: {  	_ =	swait.ge [sflag:s15], $0x7D0  }
0x20: {  	[sflag:s15] =	ssyncset.done $0x0  }
0x21: {  	[sflag:s15] =	ssyncadd.s32 $0xFFFFF830  }
0x22: {  	[spmem:s2] =	stream.indirect.scatter.add.f32 [tilespmem:s16], [sflag:$0x3], $0x10, s3, s14, $0xb8;
	[tilespmem:$0x14FF0] =	vst v63  }
0x23: {  	_ =	swait.ge [sflag:s13], $0x7D00  }
0x24: {  	s31 =	sshrl.u32 s10, $0x3;
	[sflag:s13] =	ssyncset.done $0x0  }
0x25: {  	s19 =	sadd.s32 s4, s31;
	[sflag:s13] =	ssyncadd.s32 $0xFFFF8300  }
0x26: {  	[tilespmem:s3], [sflag:$0x1] =	stream.linear.gather [hbm4b:s19+s3], $0x7D0, $0x38;
	[tilespmem:$0x14FF0] =	vst v63  }
0x27: {  	_ =	swait.ge [sflag:s17], $0x7D0  }
0x28: {  	[sflag:s17] =	ssyncset.done $0x0  }
0x29: {  	[sflag:s17] =	ssyncadd.s32 $0xFFFFF830  }
0x2a: {  	[spmem:s2] =	stream.indirect.scatter.add.f32 [tilespmem:s16], [sflag:$0x3], $0x10, s14, s14, $0xb8;
	[tilespmem:$0x14FF0] =	vst v63  }
0x2b: {  	s20 =	simm.s32 $0x1F4;
	_ =	swait.ge [sflag:s13], $0x7D00  }
0x2c: {  	s21 =	simm.s32 $0x3E8;
	s19 =	sadd.s32 $0xFA0, s10;
	[sflag:s13] =	ssyncset.done $0x0  }
.LBB2_4:
0x2d: {  	s22 =	sadd.s32 s20, s11  }
0x2e: {  	[sflag:s13] =	ssyncadd.s32 $0xFFFF8300;
	s20 =	smov.u32 s21;
	s23 =	sadd.s32 $0x1F4, s21  }
0x2f: {  	[tilespmem:s14], [sflag:$0x2] =	stream.linear.gather [hbm4b:s22+s3], $0x7D0, $0x38;
	[tilespmem:$0x14FF0] =	vst v63  }
0x30: {  	p0 =	sne.s32 s21, $0x157C;
	_ =	swait.ge [sflag:s15], $0x7D0  }
0x31: {  	[sflag:s15] =	ssyncset.done $0x0  }
0x32: {  	[sflag:s15] =	ssyncadd.s32 $0xFFFFF830  }
0x33: {  	[spmem:s2] =	stream.indirect.scatter.add.f32 [tilespmem:s16], [sflag:$0x3], $0x10, s3, s14, $0xb8;
	[tilespmem:$0x14FF0] =	vst v63  }
0x34: {  	_ =	swait.ge [sflag:s13], $0x7D00  }
0x35: {  	s21 =	sshrl.u32 s19, $0x3;
	[sflag:s13] =	ssyncset.done $0x0  }
0x36: {  	s21 =	sadd.s32 s4, s21;
	[sflag:s13] =	ssyncadd.s32 $0xFFFF8300  }
0x37: {  	[tilespmem:s3], [sflag:$0x1] =	stream.linear.gather [hbm4b:s21+s3], $0x7D0, $0x38;
	[tilespmem:$0x14FF0] =	vst v63  }
0x38: {  	_ =	swait.ge [sflag:s17], $0x7D0  }
.Ltmp1:
0x39: {  	[sflag:s17] =	ssyncset.done $0x0;
	(pc) =	sbr.rel @p0 .LBB2_4-.Ltmp1, $4  }
0x3a: {  	[sflag:s17] =	ssyncadd.s32 $0xFFFFF830  }
0x3b: {  	[spmem:s2] =	stream.indirect.scatter.add.f32 [tilespmem:s16], [sflag:$0x3], $0x10, s14, s14, $0xb8;
	[tilespmem:$0x14FF0] =	vst v63  }
0x3c: {  	_ =	swait.ge [sflag:s13], $0x7D00  }
0x3d: {  	s19 =	sadd.s32 $0xFA0, s19;
	s21 =	smov.u32 s23;
	[sflag:s13] =	ssyncset.done $0x0  }
0x3e: {  	s20 =	sadd.s32 s20, s11;
	[sflag:s13] =	ssyncadd.s32 $0xFFFF8300  }
0x3f: {  	[tilespmem:s14], [sflag:$0x2] =	stream.linear.gather [hbm4b:s20+s3], $0x7D0, $0x38;
	[tilespmem:$0x14FF0] =	vst v63  }
0x40: {  	_ =	swait.ge [sflag:s15], $0x7D0  }
0x41: {  	[sflag:s15] =	ssyncset.done $0x0  }
0x42: {  	[sflag:s15] =	ssyncadd.s32 $0xFFFFF830  }
0x43: {  	[spmem:s2] =	stream.indirect.scatter.add.f32 [tilespmem:s16], [sflag:$0x3], $0x10, s3, s14, $0xb8;
	[tilespmem:$0x14FF0] =	vst v63  }
0x44: {  	_ =	swait.ge [sflag:s13], $0x7D00  }
0x45: {  	s19 =	sshrl.u32 s19, $0x3;
	[sflag:s13] =	ssyncset.done $0x0  }
0x46: {  	s19 =	sadd.s32 s4, s19;
	[sflag:s13] =	ssyncadd.s32 $0xFFFF8300  }
0x47: {  	[tilespmem:s3], [sflag:$0x1] =	stream.linear.gather [hbm4b:s19+s3], $0x7D0, $0x38;
	[tilespmem:$0x14FF0] =	vst v63  }
0x48: {  	_ =	swait.ge [sflag:s17], $0x7D0  }
0x49: {  	[sflag:s17] =	ssyncset.done $0x0  }
0x4a: {  	[sflag:s17] =	ssyncadd.s32 $0xFFFFF830  }
0x4b: {  	[spmem:s2] =	stream.indirect.scatter.add.f32 [tilespmem:s16], [sflag:$0x3], $0x10, s14, s14, $0xb8;
	[tilespmem:$0x14FF0] =	vst v63  }
0x4c: {  	_ =	swait.ge [sflag:s13], $0x7D00  }
0x4d: {  	[sflag:s13] =	ssyncset.done $0x0  }
0x4e: {  	[sflag:s13] =	ssyncadd.s32 $0xFFFF8300  }
0x4f: {  	_ =	swait.ge [sflag:s15], $0x7D0  }
0x50: {  	[sflag:s15] =	ssyncset.done $0x0  }
0x51: {  	[sflag:s15] =	ssyncadd.s32 $0xFFFFF830  }
0x52: {  	[spmem:s2] =	stream.indirect.scatter.add.f32 [tilespmem:s16], [sflag:$0x3], $0x10, s3, s14, $0xb8;
	[tilespmem:$0x14FF0] =	vst v63  }
0x53: {  	_ =	swait.ge [sflag:s13], $0x7D00  }
0x54: {  	s18 =	sadd.s32 $0x1, s18;
	[sflag:s13] =	ssyncset.done $0x0  }
0x55: {  	p0 =	sne.s32 s18, s9;
	[sflag:s13] =	ssyncadd.s32 $0xFFFF8300  }
.Ltmp2:
0x56: {  	[bflag:$0x0] =	sbarrier.arrive $0xFFFF;
	(pc) =	sbr.rel @p0 .LBB2_1-.Ltmp2, $4  }
0x57: {  	[hbm:s8], [sflag:s6] =	dma.local [spmem:s12], $0x186A  }
0x58: {  	_ =	swait.ge [sflag:s13], $0x186A  }
0x59: {  	[sflag:s13] =	ssyncset.done $0x0  }
0x5a: {  	[sflag:s13] =	ssyncadd.s32 $0xFFFFE796  }
0x5b: {  	_ =	sfence.sel $0x180000  }
0x5c: {  	[bflag:$0x0] =	sbarrier.arrive $0xFFFF  }
0x5d: {  	p0 =	sne.s32 s1, $0x0;
	_ =	strace $0x90000047  }
0x5e: {  	s0 =	sadd.s32 @!p0 $0x100000, s0;
	[bflag:$0x2] =	sbarrier.arrive $0xFFFF  }
0x5f: {  	[sflag:s0] =	ssyncadd.tile.s32 @!p0 $0x1;
	_ =	shalt  }
.Lfunc_end2:
_tile_overlayer_lowered:
.L_overlay_start_2:
0x60: {  	(tag) =	ssettag $0x2  }
0x61: {  	s0 =	rddreg [dreg:$0x0];
	s2 =	stileid.u32  }
0x62: {  	s1 =	rddreg [dreg:$0x1];
	p0 =	sne.s32 s2, $0x0  }
0x63: {  	s3 =	rddreg [dreg:$0x2];
	[bflag:$0x3] =	sbarrier.arrive $0xFFFF;
	s2 =	simm.s32 @!p0 $0x1C03  }
0x64: {  	[timem:s3], [sflag:s2] =	dma.local @!p0 [hbm:s0], s1  }
0x65: {  	s0 =	simm.s32 @!p0 $0x3  }
0x66: {  	_ =	swait.ge @!p0 [sflag:s0], s1  }
0x67: {  	s1 =	ssub.s32 @!p0 $0x0, s1;
	[sflag:s0] =	ssyncset.done @!p0 $0x0  }
0x68: {  	[sflag:s0] =	ssyncadd.s32 @!p0 s1  }
0x69: {  	[bflag:$0x3] =	sbarrier.arrive $0xFFFF  }
0x6a: {  	_ =	shalt  }

</sc_bundles>
